<compile_context>
chip_gen: v7x
topology: tpu7x:2x2x1
jax: 0.10.2.dev20260603
libtpu: 0.0.44.dev20260713+nightly
codegen_flags: <defaults>
</compile_context>

<pallas_src>
import functools

import jax
import jax.numpy as jnp
from jax import lax
from jax.experimental import pallas as pl
from jax.experimental.pallas import tpu as pltpu
from jax.experimental.pallas import tpu_sc as plsc

L = 16
NC = 2
NS = 16
NW = NC * NS

HIDDEN = 64
EPS = 1e-6

CHUNK_ROWS = 4
CHUNK = CHUNK_ROWS * 128
GROUPS = CHUNK // L


def _rsqrt(x):
    i = lax.bitcast_convert_type(x, jnp.int32)
    i = jnp.int32(0x5F3759DF) - lax.shift_right_arithmetic(i, 1)
    y = lax.bitcast_convert_type(i, jnp.float32)
    for _ in range(3):
        y = y * (1.5 - 0.5 * x * y * y)
    return y


def _make_kernel(n_tokens):
    rows_per_tile = n_tokens // 128 // NW
    chunks = rows_per_tile // CHUNK_ROWS
    mesh = plsc.VectorSubcoreMesh(core_axis_name="c", subcore_axis_name="s")

    @functools.partial(
        pl.kernel,
        mesh=mesh,
        compiler_params=pltpu.CompilerParams(
            needs_layout_passes=False, use_tc_tiling_on_sc=False
        ),
        out_type=jax.ShapeDtypeStruct((n_tokens, HIDDEN), jnp.float32),
        scratch_types=[
            pltpu.VMEM((CHUNK_ROWS, 128), jnp.int32),
            pltpu.VMEM((CHUNK, HIDDEN), jnp.float32),
            pltpu.VMEM((CHUNK,), jnp.float32),
            pltpu.VMEM((CHUNK,), jnp.float32),
            pltpu.VMEM((HIDDEN,), jnp.float32),
            pltpu.VMEM((HIDDEN,), jnp.float32),
            pltpu.SemaphoreType.DMA,
        ],
    )
    def ln_embed(idx_hbm, table_hbm, gamma_hbm, beta_hbm, out_hbm,
                 idx_v, rows_v, mean_v, rstd_v, gamma_v, beta_v, sem):
        wid = lax.axis_index("s") * NC + lax.axis_index("c")
        pltpu.sync_copy(gamma_hbm, gamma_v)
        pltpu.sync_copy(beta_hbm, beta_v)
        g_regs = [gamma_v[pl.ds(j * L, L)] for j in range(HIDDEN // L)]
        b_regs = [beta_v[pl.ds(j * L, L)] for j in range(HIDDEN // L)]
        row0 = wid * rows_per_tile
        iota = lax.iota(jnp.int32, L)

        def chunk_body(ci, _):
            r = row0 + ci * CHUNK_ROWS
            pltpu.sync_copy(idx_hbm.at[pl.ds(r, CHUNK_ROWS)], idx_v)
            cps = [
                pltpu.async_copy(
                    table_hbm.at[idx_v.at[j]],
                    rows_v.at[pl.ds(j * 128, 128)],
                    sem,
                )
                for j in range(CHUNK_ROWS)
            ]
            for cp in cps:
                cp.wait()

            def grp(gi, _):
                t0 = gi * L
                idx_t = t0 + iota
                s = [jnp.zeros((L,), jnp.float32) for _ in range(4)]
                ss = [jnp.zeros((L,), jnp.float32) for _ in range(4)]
                for h in range(HIDDEN):
                    v = plsc.load_gather(
                        rows_v,
                        [idx_t, jnp.full((L,), h, dtype=jnp.int32)],
                    )
                    s[h % 4] = s[h % 4] + v
                    ss[h % 4] = ss[h % 4] + v * v
                stot = (s[0] + s[1]) + (s[2] + s[3])
                sstot = (ss[0] + ss[1]) + (ss[2] + ss[3])
                mean = stot * (1.0 / HIDDEN)
                var = sstot * (1.0 / HIDDEN) - mean * mean
                mean_v[pl.ds(t0, L)] = mean
                rstd_v[pl.ds(t0, L)] = _rsqrt(var + EPS)
                return 0

            lax.fori_loop(0, GROUPS, grp, 0)

            def tok(t, _):
                tsplat = jnp.full((L,), t, dtype=jnp.int32)
                mb = plsc.load_gather(mean_v, [tsplat])
                rb = plsc.load_gather(rstd_v, [tsplat])
                for j in range(HIDDEN // L):
                    v = rows_v[t, pl.ds(j * L, L)]
                    rows_v[t, pl.ds(j * L, L)] = (
                        (v - mb) * rb * g_regs[j] + b_regs[j]
                    )
                return 0

            lax.fori_loop(0, CHUNK, tok, 0)

            pltpu.sync_copy(rows_v, out_hbm.at[pl.ds(r * 128, CHUNK)])
            return 0

        lax.fori_loop(0, chunks, chunk_body, 0)

    return ln_embed


def kernel(input_tokens, table, gamma, beta):
    b, l = input_tokens.shape
    n = b * l
    idx = input_tokens.reshape(n // 128, 128).astype(jnp.int32)
    out = _make_kernel(n)(idx, table, gamma, beta)
    return out.reshape(b, l, HIDDEN)

# --- scband reference (transcript-rebuilt; emitter-appended) ---
"""Pipeline reference for scband-token-embedding-28174985462170 (READ-ONLY COPY).

The authoritative reference and input builder live on the scoring server;
editing this copy changes nothing except your own understanding.
"""

import jax, jax.numpy as jnp
import numpy as np

VOCAB = 1000000
HIDDEN = 64
EPS = 1e-6

def setup_inputs(seed: int = 0) -> dict:
    key = jax.random.key(seed)
    k1, k2, k3 = jax.random.split(key, 3)
    input_tokens = jax.random.randint(k1, (4096, 200), 0, VOCAB, dtype=jnp.int64)
    table = jax.random.normal(k2, (VOCAB, HIDDEN), dtype=jnp.float32) * 0.02
    gamma = jnp.ones((HIDDEN,), dtype=jnp.float32)
    beta = jnp.zeros((HIDDEN,), dtype=jnp.float32)
    return {"input_tokens": input_tokens, "table": table, "gamma": gamma, "beta": beta}

def reference(input_tokens, table, gamma, beta):
    # embedding lookup
    emb = jnp.take(table, input_tokens, axis=0)  # [B, L, H]
    # layer norm over hidden dim
    mean = jnp.mean(emb, axis=-1, keepdims=True)
    var = jnp.mean((emb - mean) ** 2, axis=-1, keepdims=True)
    normed = (emb - mean) / jnp.sqrt(var + EPS)
    out = normed * gamma + beta
    # dropout is identity in eval mode (deterministic reference)
    return out

if __name__ == "__main__":
    import jax
    _d = setup_inputs()
    print(jax.jit(kernel)(*tuple(_d.values())))

</pallas_src>

<mosaic_0001>
#map = affine_map<(d0, d1) -> (0, 0)>
#map1 = affine_map<(d0, d1) -> (0)>
module attributes {stable_mosaic.version = 14 : i64} {
  func.func @ln_embed(%arg0: i32, %arg1: i32, %arg2: memref<6400x128xi32, #tpu.memory_space<hbm>>, %arg3: memref<1000000x64xf32, #tpu.memory_space<hbm>>, %arg4: memref<64xf32, #tpu.memory_space<hbm>>, %arg5: memref<64xf32, #tpu.memory_space<hbm>>, %arg6: memref<819200x64xf32, #tpu.memory_space<hbm>>, %arg7: memref<4x128xi32, #tpu.memory_space<vmem>>, %arg8: memref<512x64xf32, #tpu.memory_space<vmem>>, %arg9: memref<512xf32, #tpu.memory_space<vmem>>, %arg10: memref<512xf32, #tpu.memory_space<vmem>>, %arg11: memref<64xf32, #tpu.memory_space<vmem>>, %arg12: memref<64xf32, #tpu.memory_space<vmem>>, %arg13: memref<!tpu.dma_semaphore, #tpu.memory_space<semaphore_mem>>) attributes {dimension_semantics = [#tpu.dimension_semantics<core_parallel>, #tpu.dimension_semantics<subcore_parallel>], iteration_bounds = array<i64: 2, 16>, scalar_prefetch = 0 : i64, scratch_operands = 7 : i64, tpu.core_type = #tpu.core_type<sc_vector_subcore>, window_params = [{transform_indices = #map}, {transform_indices = #map}, {transform_indices = #map1}, {transform_indices = #map1}, {transform_indices = #map}]} {
    %mul3A = arith.constant 2 : i32
    %mul3A_0 = arith.muli %arg1, %mul3A : i32
    %add3A = arith.addi %mul3A_0, %arg0 : i32
    "tpu.region"() ({
      %run_scoped3A = tpu.sem_alloc : memref<!tpu.dma_semaphore, #tpu.memory_space<semaphore_mem>>
      tpu.enqueue_dma source(%arg4 : memref<64xf32, #tpu.memory_space<hbm>>) target(%arg11 : memref<64xf32, #tpu.memory_space<vmem>>) target_semaphore(%run_scoped3A : memref<!tpu.dma_semaphore, #tpu.memory_space<semaphore_mem>>)
      tpu.wait_dma2 semaphore(%run_scoped3A : memref<!tpu.dma_semaphore, #tpu.memory_space<semaphore_mem>>) src(%arg4 : memref<64xf32, #tpu.memory_space<hbm>>) dst(%arg11 : memref<64xf32, #tpu.memory_space<vmem>>)
      tpu.yield
    }) : () -> ()
    "tpu.region"() ({
      %run_scoped3A = tpu.sem_alloc : memref<!tpu.dma_semaphore, #tpu.memory_space<semaphore_mem>>
      tpu.enqueue_dma source(%arg5 : memref<64xf32, #tpu.memory_space<hbm>>) target(%arg12 : memref<64xf32, #tpu.memory_space<vmem>>) target_semaphore(%run_scoped3A : memref<!tpu.dma_semaphore, #tpu.memory_space<semaphore_mem>>)
      tpu.wait_dma2 semaphore(%run_scoped3A : memref<!tpu.dma_semaphore, #tpu.memory_space<semaphore_mem>>) src(%arg5 : memref<64xf32, #tpu.memory_space<hbm>>) dst(%arg12 : memref<64xf32, #tpu.memory_space<vmem>>)
      tpu.yield
    }) : () -> ()
    %get3A = arith.constant 0 : index
    %get3A_1 = tpu.vector_load %arg11[%get3A] {strides = array<i32>} : memref<64xf32, #tpu.memory_space<vmem>>, vector<16xf32>,
    %get3A_2 = arith.constant 16 : index
    %get3A_3 = tpu.vector_load %arg11[%get3A_2] {strides = array<i32>} : memref<64xf32, #tpu.memory_space<vmem>>, vector<16xf32>,
    %get3A_4 = arith.constant 32 : index
    %get3A_5 = tpu.vector_load %arg11[%get3A_4] {strides = array<i32>} : memref<64xf32, #tpu.memory_space<vmem>>, vector<16xf32>,
    %get3A_6 = arith.constant 48 : index
    %get3A_7 = tpu.vector_load %arg11[%get3A_6] {strides = array<i32>} : memref<64xf32, #tpu.memory_space<vmem>>, vector<16xf32>,
    %get3A_8 = arith.constant 0 : index
    %get3A_9 = tpu.vector_load %arg12[%get3A_8] {strides = array<i32>} : memref<64xf32, #tpu.memory_space<vmem>>, vector<16xf32>,
    %get3A_10 = arith.constant 16 : index
    %get3A_11 = tpu.vector_load %arg12[%get3A_10] {strides = array<i32>} : memref<64xf32, #tpu.memory_space<vmem>>, vector<16xf32>,
    %get3A_12 = arith.constant 32 : index
    %get3A_13 = tpu.vector_load %arg12[%get3A_12] {strides = array<i32>} : memref<64xf32, #tpu.memory_space<vmem>>, vector<16xf32>,
    %get3A_14 = arith.constant 48 : index
    %get3A_15 = tpu.vector_load %arg12[%get3A_14] {strides = array<i32>} : memref<64xf32, #tpu.memory_space<vmem>>, vector<16xf32>,
    %mul3A_16 = arith.constant 200 : i32
    %mul3A_17 = arith.muli %add3A, %mul3A_16 : i32
    %iota3A = tpu.iota {dimensions = array<i32: 0>} : vector<16xi32>
    %scan3A = arith.constant 0 : i32
    %scan3A_18 = arith.constant 0 : i32
    %scan3A_19 = arith.constant 50 : i32
    %scan3A_20 = arith.addi %scan3A_18, %scan3A_19 : i32
    %scan3A_21 = arith.constant 1 : i32
    %scan3A_22 = scf.for %scan3A_24 = %scan3A_18 to %scan3A_20 step %scan3A_21 iter_args(%scan3A_25 = %scan3A) -> (i32)  : i32 {
      %mul3A_26 = arith.constant 4 : i32
      %mul3A_27 = arith.muli %scan3A_24, %mul3A_26 : i32
      %add3A_28 = arith.addi %mul3A_17, %mul3A_27 : i32
      "tpu.region"() ({
        %run_scoped3A = tpu.sem_alloc : memref<!tpu.dma_semaphore, #tpu.memory_space<semaphore_mem>>
        %dma_start3A_124 = arith.constant 0 : i32
        %dma_start3A_125 = tpu.memref_slice %arg2[%add3A_28, %dma_start3A_124] : memref<6400x128xi32, #tpu.memory_space<hbm>> -> memref<4x128xi32, #tpu.memory_space<hbm>>
        %dma_start3A_126 = arith.constant 0 : i32
        %dma_start3A_127 = tpu.memref_slice %arg2[%add3A_28, %dma_start3A_126] : memref<6400x128xi32, #tpu.memory_space<hbm>> -> memref<4x128xi32, #tpu.memory_space<hbm>>
        tpu.enqueue_dma source(%dma_start3A_127 : memref<4x128xi32, #tpu.memory_space<hbm>>) target(%arg7 : memref<4x128xi32, #tpu.memory_space<vmem>>) target_semaphore(%run_scoped3A : memref<!tpu.dma_semaphore, #tpu.memory_space<semaphore_mem>>)
        %dma_wait3A_128 = arith.constant 0 : i32
        %dma_wait3A_129 = tpu.memref_slice %arg2[%add3A_28, %dma_wait3A_128] : memref<6400x128xi32, #tpu.memory_space<hbm>> -> memref<4x128xi32, #tpu.memory_space<hbm>>
        %dma_wait3A_130 = arith.constant 0 : i32
        %dma_wait3A_131 = tpu.memref_slice %arg2[%add3A_28, %dma_wait3A_130] : memref<6400x128xi32, #tpu.memory_space<hbm>> -> memref<4x128xi32, #tpu.memory_space<hbm>>
        tpu.wait_dma2 semaphore(%run_scoped3A : memref<!tpu.dma_semaphore, #tpu.memory_space<semaphore_mem>>) src(%dma_wait3A_131 : memref<4x128xi32, #tpu.memory_space<hbm>>) dst(%arg7 : memref<4x128xi32, #tpu.memory_space<vmem>>)
        tpu.yield
      }) : () -> ()
      %dma_start3A = arith.constant 0 : i32
      %dma_start3A_29 = arith.constant 0 : i32
      %dma_start3A_30 = arith.constant 0 : i32
      %dma_start3A_31 = tpu.memref_slice %arg8[%dma_start3A_29, %dma_start3A_30] : memref<512x64xf32, #tpu.memory_space<vmem>> -> memref<128x64xf32, #tpu.memory_space<vmem>>
      %dma_start3A_32 = arith.constant 0 : i32
      %dma_start3A_33 = tpu.memref_slice %arg7[%dma_start3A, %dma_start3A_32] : memref<4x128xi32, #tpu.memory_space<vmem>> -> memref<1x128xi32, #tpu.memory_space<vmem>>
      %dma_start3A_34 = tpu.memref_squeeze %dma_start3A_33 : memref<1x128xi32, #tpu.memory_space<vmem>> -> memref<128xi32, #tpu.memory_space<vmem>>
      %dma_start3A_35 = arith.constant 0 : i32
      %dma_start3A_36 = arith.constant 0 : i32
      %dma_start3A_37 = tpu.memref_slice %arg3[%dma_start3A_35, %dma_start3A_36] : memref<1000000x64xf32, #tpu.memory_space<hbm>> -> memref<1000000x64xf32, #tpu.memory_space<hbm>>
      tpu.enqueue_indirect_dma source(%dma_start3A_37 : memref<1000000x64xf32, #tpu.memory_space<hbm>>) target(%dma_start3A_31 : memref<128x64xf32, #tpu.memory_space<vmem>>) offsets(%dma_start3A_34 : memref<128xi32, #tpu.memory_space<vmem>>) semaphore(%arg13 : memref<!tpu.dma_semaphore, #tpu.memory_space<semaphore_mem>>)
      %dma_start3A_38 = arith.constant 1 : i32
      %dma_start3A_39 = arith.constant 128 : i32
      %dma_start3A_40 = arith.constant 0 : i32
      %dma_start3A_41 = tpu.memref_slice %arg8[%dma_start3A_39, %dma_start3A_40] : memref<512x64xf32, #tpu.memory_space<vmem>> -> memref<128x64xf32, #tpu.memory_space<vmem>>
      %dma_start3A_42 = arith.constant 0 : i32
      %dma_start3A_43 = tpu.memref_slice %arg7[%dma_start3A_38, %dma_start3A_42] : memref<4x128xi32, #tpu.memory_space<vmem>> -> memref<1x128xi32, #tpu.memory_space<vmem>>
      %dma_start3A_44 = tpu.memref_squeeze %dma_start3A_43 : memref<1x128xi32, #tpu.memory_space<vmem>> -> memref<128xi32, #tpu.memory_space<vmem>>
      %dma_start3A_45 = arith.constant 0 : i32
      %dma_start3A_46 = arith.constant 0 : i32
      %dma_start3A_47 = tpu.memref_slice %arg3[%dma_start3A_45, %dma_start3A_46] : memref<1000000x64xf32, #tpu.memory_space<hbm>> -> memref<1000000x64xf32, #tpu.memory_space<hbm>>
      tpu.enqueue_indirect_dma source(%dma_start3A_47 : memref<1000000x64xf32, #tpu.memory_space<hbm>>) target(%dma_start3A_41 : memref<128x64xf32, #tpu.memory_space<vmem>>) offsets(%dma_start3A_44 : memref<128xi32, #tpu.memory_space<vmem>>) semaphore(%arg13 : memref<!tpu.dma_semaphore, #tpu.memory_space<semaphore_mem>>)
      %dma_start3A_48 = arith.constant 2 : i32
      %dma_start3A_49 = arith.constant 256 : i32
      %dma_start3A_50 = arith.constant 0 : i32
      %dma_start3A_51 = tpu.memref_slice %arg8[%dma_start3A_49, %dma_start3A_50] : memref<512x64xf32, #tpu.memory_space<vmem>> -> memref<128x64xf32, #tpu.memory_space<vmem>>
      %dma_start3A_52 = arith.constant 0 : i32
      %dma_start3A_53 = tpu.memref_slice %arg7[%dma_start3A_48, %dma_start3A_52] : memref<4x128xi32, #tpu.memory_space<vmem>> -> memref<1x128xi32, #tpu.memory_space<vmem>>
      %dma_start3A_54 = tpu.memref_squeeze %dma_start3A_53 : memref<1x128xi32, #tpu.memory_space<vmem>> -> memref<128xi32, #tpu.memory_space<vmem>>
      %dma_start3A_55 = arith.constant 0 : i32
      %dma_start3A_56 = arith.constant 0 : i32
      %dma_start3A_57 = tpu.memref_slice %arg3[%dma_start3A_55, %dma_start3A_56] : memref<1000000x64xf32, #tpu.memory_space<hbm>> -> memref<1000000x64xf32, #tpu.memory_space<hbm>>
      tpu.enqueue_indirect_dma source(%dma_start3A_57 : memref<1000000x64xf32, #tpu.memory_space<hbm>>) target(%dma_start3A_51 : memref<128x64xf32, #tpu.memory_space<vmem>>) offsets(%dma_start3A_54 : memref<128xi32, #tpu.memory_space<vmem>>) semaphore(%arg13 : memref<!tpu.dma_semaphore, #tpu.memory_space<semaphore_mem>>)
      %dma_start3A_58 = arith.constant 3 : i32
      %dma_start3A_59 = arith.constant 384 : i32
      %dma_start3A_60 = arith.constant 0 : i32
      %dma_start3A_61 = tpu.memref_slice %arg8[%dma_start3A_59, %dma_start3A_60] : memref<512x64xf32, #tpu.memory_space<vmem>> -> memref<128x64xf32, #tpu.memory_space<vmem>>
      %dma_start3A_62 = arith.constant 0 : i32
      %dma_start3A_63 = tpu.memref_slice %arg7[%dma_start3A_58, %dma_start3A_62] : memref<4x128xi32, #tpu.memory_space<vmem>> -> memref<1x128xi32, #tpu.memory_space<vmem>>
      %dma_start3A_64 = tpu.memref_squeeze %dma_start3A_63 : memref<1x128xi32, #tpu.memory_space<vmem>> -> memref<128xi32, #tpu.memory_space<vmem>>
      %dma_start3A_65 = arith.constant 0 : i32
      %dma_start3A_66 = arith.constant 0 : i32
      %dma_start3A_67 = tpu.memref_slice %arg3[%dma_start3A_65, %dma_start3A_66] : memref<1000000x64xf32, #tpu.memory_space<hbm>> -> memref<1000000x64xf32, #tpu.memory_space<hbm>>
      tpu.enqueue_indirect_dma source(%dma_start3A_67 : memref<1000000x64xf32, #tpu.memory_space<hbm>>) target(%dma_start3A_61 : memref<128x64xf32, #tpu.memory_space<vmem>>) offsets(%dma_start3A_64 : memref<128xi32, #tpu.memory_space<vmem>>) semaphore(%arg13 : memref<!tpu.dma_semaphore, #tpu.memory_space<semaphore_mem>>)
      %dma_wait3A = arith.constant 0 : i32
      %dma_wait3A_68 = arith.constant 0 : i32
      %dma_wait3A_69 = arith.constant 0 : i32
      %dma_wait3A_70 = tpu.memref_slice %arg8[%dma_wait3A_68, %dma_wait3A_69] : memref<512x64xf32, #tpu.memory_space<vmem>> -> memref<128x64xf32, #tpu.memory_space<vmem>>
      %dma_wait3A_71 = arith.constant 0 : i32
      %dma_wait3A_72 = tpu.memref_slice %arg7[%dma_wait3A, %dma_wait3A_71] : memref<4x128xi32, #tpu.memory_space<vmem>> -> memref<1x128xi32, #tpu.memory_space<vmem>>
      %dma_wait3A_73 = tpu.memref_squeeze %dma_wait3A_72 : memref<1x128xi32, #tpu.memory_space<vmem>> -> memref<128xi32, #tpu.memory_space<vmem>>
      %dma_wait3A_74 = arith.constant 0 : i32
      %dma_wait3A_75 = arith.constant 0 : i32
      %dma_wait3A_76 = tpu.memref_slice %arg3[%dma_wait3A_74, %dma_wait3A_75] : memref<1000000x64xf32, #tpu.memory_space<hbm>> -> memref<1000000x64xf32, #tpu.memory_space<hbm>>
      tpu.wait_indirect_dma semaphore(%arg13 : memref<!tpu.dma_semaphore, #tpu.memory_space<semaphore_mem>>) src(%dma_wait3A_76 : memref<1000000x64xf32, #tpu.memory_space<hbm>>) dst(%dma_wait3A_70 : memref<128x64xf32, #tpu.memory_space<vmem>>)
      %dma_wait3A_77 = arith.constant 1 : i32
      %dma_wait3A_78 = arith.constant 128 : i32
      %dma_wait3A_79 = arith.constant 0 : i32
      %dma_wait3A_80 = tpu.memref_slice %arg8[%dma_wait3A_78, %dma_wait3A_79] : memref<512x64xf32, #tpu.memory_space<vmem>> -> memref<128x64xf32, #tpu.memory_space<vmem>>
      %dma_wait3A_81 = arith.constant 0 : i32
      %dma_wait3A_82 = tpu.memref_slice %arg7[%dma_wait3A_77, %dma_wait3A_81] : memref<4x128xi32, #tpu.memory_space<vmem>> -> memref<1x128xi32, #tpu.memory_space<vmem>>
      %dma_wait3A_83 = tpu.memref_squeeze %dma_wait3A_82 : memref<1x128xi32, #tpu.memory_space<vmem>> -> memref<128xi32, #tpu.memory_space<vmem>>
      %dma_wait3A_84 = arith.constant 0 : i32
      %dma_wait3A_85 = arith.constant 0 : i32
      %dma_wait3A_86 = tpu.memref_slice %arg3[%dma_wait3A_84, %dma_wait3A_85] : memref<1000000x64xf32, #tpu.memory_space<hbm>> -> memref<1000000x64xf32, #tpu.memory_space<hbm>>
      tpu.wait_indirect_dma semaphore(%arg13 : memref<!tpu.dma_semaphore, #tpu.memory_space<semaphore_mem>>) src(%dma_wait3A_86 : memref<1000000x64xf32, #tpu.memory_space<hbm>>) dst(%dma_wait3A_80 : memref<128x64xf32, #tpu.memory_space<vmem>>)
      %dma_wait3A_87 = arith.constant 2 : i32
      %dma_wait3A_88 = arith.constant 256 : i32
      %dma_wait3A_89 = arith.constant 0 : i32
      %dma_wait3A_90 = tpu.memref_slice %arg8[%dma_wait3A_88, %dma_wait3A_89] : memref<512x64xf32, #tpu.memory_space<vmem>> -> memref<128x64xf32, #tpu.memory_space<vmem>>
      %dma_wait3A_91 = arith.constant 0 : i32
      %dma_wait3A_92 = tpu.memref_slice %arg7[%dma_wait3A_87, %dma_wait3A_91] : memref<4x128xi32, #tpu.memory_space<vmem>> -> memref<1x128xi32, #tpu.memory_space<vmem>>
      %dma_wait3A_93 = tpu.memref_squeeze %dma_wait3A_92 : memref<1x128xi32, #tpu.memory_space<vmem>> -> memref<128xi32, #tpu.memory_space<vmem>>
      %dma_wait3A_94 = arith.constant 0 : i32
      %dma_wait3A_95 = arith.constant 0 : i32
      %dma_wait3A_96 = tpu.memref_slice %arg3[%dma_wait3A_94, %dma_wait3A_95] : memref<1000000x64xf32, #tpu.memory_space<hbm>> -> memref<1000000x64xf32, #tpu.memory_space<hbm>>
      tpu.wait_indirect_dma semaphore(%arg13 : memref<!tpu.dma_semaphore, #tpu.memory_space<semaphore_mem>>) src(%dma_wait3A_96 : memref<1000000x64xf32, #tpu.memory_space<hbm>>) dst(%dma_wait3A_90 : memref<128x64xf32, #tpu.memory_space<vmem>>)
      %dma_wait3A_97 = arith.constant 3 : i32
      %dma_wait3A_98 = arith.constant 384 : i32
      %dma_wait3A_99 = arith.constant 0 : i32
      %dma_wait3A_100 = tpu.memref_slice %arg8[%dma_wait3A_98, %dma_wait3A_99] : memref<512x64xf32, #tpu.memory_space<vmem>> -> memref<128x64xf32, #tpu.memory_space<vmem>>
      %dma_wait3A_101 = arith.constant 0 : i32
      %dma_wait3A_102 = tpu.memref_slice %arg7[%dma_wait3A_97, %dma_wait3A_101] : memref<4x128xi32, #tpu.memory_space<vmem>> -> memref<1x128xi32, #tpu.memory_space<vmem>>
      %dma_wait3A_103 = tpu.memref_squeeze %dma_wait3A_102 : memref<1x128xi32, #tpu.memory_space<vmem>> -> memref<128xi32, #tpu.memory_space<vmem>>
      %dma_wait3A_104 = arith.constant 0 : i32
      %dma_wait3A_105 = arith.constant 0 : i32
      %dma_wait3A_106 = tpu.memref_slice %arg3[%dma_wait3A_104, %dma_wait3A_105] : memref<1000000x64xf32, #tpu.memory_space<hbm>> -> memref<1000000x64xf32, #tpu.memory_space<hbm>>
      tpu.wait_indirect_dma semaphore(%arg13 : memref<!tpu.dma_semaphore, #tpu.memory_space<semaphore_mem>>) src(%dma_wait3A_106 : memref<1000000x64xf32, #tpu.memory_space<hbm>>) dst(%dma_wait3A_100 : memref<128x64xf32, #tpu.memory_space<vmem>>)
      %scan3A_107 = arith.constant 0 : i32
      %scan3A_108 = arith.constant 0 : i32
      %scan3A_109 = arith.constant 32 : i32
      %scan3A_110 = arith.addi %scan3A_108, %scan3A_109 : i32
      %scan3A_111 = arith.constant 1 : i32
      %scan3A_112 = scf.for %scan3A_124 = %scan3A_108 to %scan3A_110 step %scan3A_111 iter_args(%scan3A_125 = %scan3A_107) -> (i32)  : i32 {
        %mul3A_126 = arith.constant 16 : i32
        %mul3A_127 = arith.muli %scan3A_124, %mul3A_126 : i32
        %add3A_128 = vector.broadcast %mul3A_127 : i32 to vector<16xi32>
        %add3A_129 = arith.addi %add3A_128, %iota3A : vector<16xi32>
        %broadcast_in_dim3A = arith.constant 0.000000e+00 : f32
        %broadcast_in_dim3A_130 = vector.broadcast %broadcast_in_dim3A : f32 to vector<16xf32>
        %broadcast_in_dim3A_131 = arith.constant 0.000000e+00 : f32
        %broadcast_in_dim3A_132 = vector.broadcast %broadcast_in_dim3A_131 : f32 to vector<16xf32>
        %broadcast_in_dim3A_133 = arith.constant 0.000000e+00 : f32
        %broadcast_in_dim3A_134 = vector.broadcast %broadcast_in_dim3A_133 : f32 to vector<16xf32>
        %broadcast_in_dim3A_135 = arith.constant 0.000000e+00 : f32
        %broadcast_in_dim3A_136 = vector.broadcast %broadcast_in_dim3A_135 : f32 to vector<16xf32>
        %broadcast_in_dim3A_137 = arith.constant 0.000000e+00 : f32
        %broadcast_in_dim3A_138 = vector.broadcast %broadcast_in_dim3A_137 : f32 to vector<16xf32>
        %broadcast_in_dim3A_139 = arith.constant 0.000000e+00 : f32
        %broadcast_in_dim3A_140 = vector.broadcast %broadcast_in_dim3A_139 : f32 to vector<16xf32>
        %broadcast_in_dim3A_141 = arith.constant 0.000000e+00 : f32
        %broadcast_in_dim3A_142 = vector.broadcast %broadcast_in_dim3A_141 : f32 to vector<16xf32>
        %broadcast_in_dim3A_143 = arith.constant 0.000000e+00 : f32
        %broadcast_in_dim3A_144 = vector.broadcast %broadcast_in_dim3A_143 : f32 to vector<16xf32>
        %broadcast_in_dim3A_145 = arith.constant 0 : i32
        %broadcast_in_dim3A_146 = vector.broadcast %broadcast_in_dim3A_145 : i32 to vector<16xi32>
        %gather3A = tpu.vector_load_idx %arg8[%add3A_129, %broadcast_in_dim3A_146] : memref<512x64xf32, #tpu.memory_space<vmem>>[vector<16xi32>, vector<16xi32>], vector<16xf32>,
        %add3A_147 = arith.addf %broadcast_in_dim3A_130, %gather3A : vector<16xf32>
        %mul3A_148 = arith.mulf %gather3A, %gather3A : vector<16xf32>
        %add3A_149 = arith.addf %broadcast_in_dim3A_138, %mul3A_148 : vector<16xf32>
        %broadcast_in_dim3A_150 = arith.constant 1 : i32
        %broadcast_in_dim3A_151 = vector.broadcast %broadcast_in_dim3A_150 : i32 to vector<16xi32>
        %gather3A_152 = tpu.vector_load_idx %arg8[%add3A_129, %broadcast_in_dim3A_151] : memref<512x64xf32, #tpu.memory_space<vmem>>[vector<16xi32>, vector<16xi32>], vector<16xf32>,
        %add3A_153 = arith.addf %broadcast_in_dim3A_132, %gather3A_152 : vector<16xf32>
        %mul3A_154 = arith.mulf %gather3A_152, %gather3A_152 : vector<16xf32>
        %add3A_155 = arith.addf %broadcast_in_dim3A_140, %mul3A_154 : vector<16xf32>
        %broadcast_in_dim3A_156 = arith.constant 2 : i32
        %broadcast_in_dim3A_157 = vector.broadcast %broadcast_in_dim3A_156 : i32 to vector<16xi32>
        %gather3A_158 = tpu.vector_load_idx %arg8[%add3A_129, %broadcast_in_dim3A_157] : memref<512x64xf32, #tpu.memory_space<vmem>>[vector<16xi32>, vector<16xi32>], vector<16xf32>,
        %add3A_159 = arith.addf %broadcast_in_dim3A_134, %gather3A_158 : vector<16xf32>
        %mul3A_160 = arith.mulf %gather3A_158, %gather3A_158 : vector<16xf32>
        %add3A_161 = arith.addf %broadcast_in_dim3A_142, %mul3A_160 : vector<16xf32>
        %broadcast_in_dim3A_162 = arith.constant 3 : i32
        %broadcast_in_dim3A_163 = vector.broadcast %broadcast_in_dim3A_162 : i32 to vector<16xi32>
        %gather3A_164 = tpu.vector_load_idx %arg8[%add3A_129, %broadcast_in_dim3A_163] : memref<512x64xf32, #tpu.memory_space<vmem>>[vector<16xi32>, vector<16xi32>], vector<16xf32>,
        %add3A_165 = arith.addf %broadcast_in_dim3A_136, %gather3A_164 : vector<16xf32>
        %mul3A_166 = arith.mulf %gather3A_164, %gather3A_164 : vector<16xf32>
        %add3A_167 = arith.addf %broadcast_in_dim3A_144, %mul3A_166 : vector<16xf32>
        %broadcast_in_dim3A_168 = arith.constant 4 : i32
        %broadcast_in_dim3A_169 = vector.broadcast %broadcast_in_dim3A_168 : i32 to vector<16xi32>
        %gather3A_170 = tpu.vector_load_idx %arg8[%add3A_129, %broadcast_in_dim3A_169] : memref<512x64xf32, #tpu.memory_space<vmem>>[vector<16xi32>, vector<16xi32>], vector<16xf32>,
        %add3A_171 = arith.addf %add3A_147, %gather3A_170 : vector<16xf32>
        %mul3A_172 = arith.mulf %gather3A_170, %gather3A_170 : vector<16xf32>
        %add3A_173 = arith.addf %add3A_149, %mul3A_172 : vector<16xf32>
        %broadcast_in_dim3A_174 = arith.constant 5 : i32
        %broadcast_in_dim3A_175 = vector.broadcast %broadcast_in_dim3A_174 : i32 to vector<16xi32>
        %gather3A_176 = tpu.vector_load_idx %arg8[%add3A_129, %broadcast_in_dim3A_175] : memref<512x64xf32, #tpu.memory_space<vmem>>[vector<16xi32>, vector<16xi32>], vector<16xf32>,
        %add3A_177 = arith.addf %add3A_153, %gather3A_176 : vector<16xf32>
        %mul3A_178 = arith.mulf %gather3A_176, %gather3A_176 : vector<16xf32>
        %add3A_179 = arith.addf %add3A_155, %mul3A_178 : vector<16xf32>
        %broadcast_in_dim3A_180 = arith.constant 6 : i32
        %broadcast_in_dim3A_181 = vector.broadcast %broadcast_in_dim3A_180 : i32 to vector<16xi32>
        %gather3A_182 = tpu.vector_load_idx %arg8[%add3A_129, %broadcast_in_dim3A_181] : memref<512x64xf32, #tpu.memory_space<vmem>>[vector<16xi32>, vector<16xi32>], vector<16xf32>,
        %add3A_183 = arith.addf %add3A_159, %gather3A_182 : vector<16xf32>
        %mul3A_184 = arith.mulf %gather3A_182, %gather3A_182 : vector<16xf32>
        %add3A_185 = arith.addf %add3A_161, %mul3A_184 : vector<16xf32>
        %broadcast_in_dim3A_186 = arith.constant 7 : i32
        %broadcast_in_dim3A_187 = vector.broadcast %broadcast_in_dim3A_186 : i32 to vector<16xi32>
        %gather3A_188 = tpu.vector_load_idx %arg8[%add3A_129, %broadcast_in_dim3A_187] : memref<512x64xf32, #tpu.memory_space<vmem>>[vector<16xi32>, vector<16xi32>], vector<16xf32>,
        %add3A_189 = arith.addf %add3A_165, %gather3A_188 : vector<16xf32>
        %mul3A_190 = arith.mulf %gather3A_188, %gather3A_188 : vector<16xf32>
        %add3A_191 = arith.addf %add3A_167, %mul3A_190 : vector<16xf32>
        %broadcast_in_dim3A_192 = arith.constant 8 : i32
        %broadcast_in_dim3A_193 = vector.broadcast %broadcast_in_dim3A_192 : i32 to vector<16xi32>
        %gather3A_194 = tpu.vector_load_idx %arg8[%add3A_129, %broadcast_in_dim3A_193] : memref<512x64xf32, #tpu.memory_space<vmem>>[vector<16xi32>, vector<16xi32>], vector<16xf32>,
        %add3A_195 = arith.addf %add3A_171, %gather3A_194 : vector<16xf32>
        %mul3A_196 = arith.mulf %gather3A_194, %gather3A_194 : vector<16xf32>
        %add3A_197 = arith.addf %add3A_173, %mul3A_196 : vector<16xf32>
        %broadcast_in_dim3A_198 = arith.constant 9 : i32
        %broadcast_in_dim3A_199 = vector.broadcast %broadcast_in_dim3A_198 : i32 to vector<16xi32>
        %gather3A_200 = tpu.vector_load_idx %arg8[%add3A_129, %broadcast_in_dim3A_199] : memref<512x64xf32, #tpu.memory_space<vmem>>[vector<16xi32>, vector<16xi32>], vector<16xf32>,
        %add3A_201 = arith.addf %add3A_177, %gather3A_200 : vector<16xf32>
        %mul3A_202 = arith.mulf %gather3A_200, %gather3A_200 : vector<16xf32>
        %add3A_203 = arith.addf %add3A_179, %mul3A_202 : vector<16xf32>
        %broadcast_in_dim3A_204 = arith.constant 10 : i32
        %broadcast_in_dim3A_205 = vector.broadcast %broadcast_in_dim3A_204 : i32 to vector<16xi32>
        %gather3A_206 = tpu.vector_load_idx %arg8[%add3A_129, %broadcast_in_dim3A_205] : memref<512x64xf32, #tpu.memory_space<vmem>>[vector<16xi32>, vector<16xi32>], vector<16xf32>,
        %add3A_207 = arith.addf %add3A_183, %gather3A_206 : vector<16xf32>
        %mul3A_208 = arith.mulf %gather3A_206, %gather3A_206 : vector<16xf32>
        %add3A_209 = arith.addf %add3A_185, %mul3A_208 : vector<16xf32>
        %broadcast_in_dim3A_210 = arith.constant 11 : i32
        %broadcast_in_dim3A_211 = vector.broadcast %broadcast_in_dim3A_210 : i32 to vector<16xi32>
        %gather3A_212 = tpu.vector_load_idx %arg8[%add3A_129, %broadcast_in_dim3A_211] : memref<512x64xf32, #tpu.memory_space<vmem>>[vector<16xi32>, vector<16xi32>], vector<16xf32>,
        %add3A_213 = arith.addf %add3A_189, %gather3A_212 : vector<16xf32>
        %mul3A_214 = arith.mulf %gather3A_212, %gather3A_212 : vector<16xf32>
        %add3A_215 = arith.addf %add3A_191, %mul3A_214 : vector<16xf32>
        %broadcast_in_dim3A_216 = arith.constant 12 : i32
        %broadcast_in_dim3A_217 = vector.broadcast %broadcast_in_dim3A_216 : i32 to vector<16xi32>
        %gather3A_218 = tpu.vector_load_idx %arg8[%add3A_129, %broadcast_in_dim3A_217] : memref<512x64xf32, #tpu.memory_space<vmem>>[vector<16xi32>, vector<16xi32>], vector<16xf32>,
        %add3A_219 = arith.addf %add3A_195, %gather3A_218 : vector<16xf32>
        %mul3A_220 = arith.mulf %gather3A_218, %gather3A_218 : vector<16xf32>
        %add3A_221 = arith.addf %add3A_197, %mul3A_220 : vector<16xf32>
        %broadcast_in_dim3A_222 = arith.constant 13 : i32
        %broadcast_in_dim3A_223 = vector.broadcast %broadcast_in_dim3A_222 : i32 to vector<16xi32>
        %gather3A_224 = tpu.vector_load_idx %arg8[%add3A_129, %broadcast_in_dim3A_223] : memref<512x64xf32, #tpu.memory_space<vmem>>[vector<16xi32>, vector<16xi32>], vector<16xf32>,
        %add3A_225 = arith.addf %add3A_201, %gather3A_224 : vector<16xf32>
        %mul3A_226 = arith.mulf %gather3A_224, %gather3A_224 : vector<16xf32>
        %add3A_227 = arith.addf %add3A_203, %mul3A_226 : vector<16xf32>
        %broadcast_in_dim3A_228 = arith.constant 14 : i32
        %broadcast_in_dim3A_229 = vector.broadcast %broadcast_in_dim3A_228 : i32 to vector<16xi32>
        %gather3A_230 = tpu.vector_load_idx %arg8[%add3A_129, %broadcast_in_dim3A_229] : memref<512x64xf32, #tpu.memory_space<vmem>>[vector<16xi32>, vector<16xi32>], vector<16xf32>,
        %add3A_231 = arith.addf %add3A_207, %gather3A_230 : vector<16xf32>
        %mul3A_232 = arith.mulf %gather3A_230, %gather3A_230 : vector<16xf32>
        %add3A_233 = arith.addf %add3A_209, %mul3A_232 : vector<16xf32>
        %broadcast_in_dim3A_234 = arith.constant 15 : i32
        %broadcast_in_dim3A_235 = vector.broadcast %broadcast_in_dim3A_234 : i32 to vector<16xi32>
        %gather3A_236 = tpu.vector_load_idx %arg8[%add3A_129, %broadcast_in_dim3A_235] : memref<512x64xf32, #tpu.memory_space<vmem>>[vector<16xi32>, vector<16xi32>], vector<16xf32>,
        %add3A_237 = arith.addf %add3A_213, %gather3A_236 : vector<16xf32>
        %mul3A_238 = arith.mulf %gather3A_236, %gather3A_236 : vector<16xf32>
        %add3A_239 = arith.addf %add3A_215, %mul3A_238 : vector<16xf32>
        %broadcast_in_dim3A_240 = arith.constant 16 : i32
        %broadcast_in_dim3A_241 = vector.broadcast %broadcast_in_dim3A_240 : i32 to vector<16xi32>
        %gather3A_242 = tpu.vector_load_idx %arg8[%add3A_129, %broadcast_in_dim3A_241] : memref<512x64xf32, #tpu.memory_space<vmem>>[vector<16xi32>, vector<16xi32>], vector<16xf32>,
        %add3A_243 = arith.addf %add3A_219, %gather3A_242 : vector<16xf32>
        %mul3A_244 = arith.mulf %gather3A_242, %gather3A_242 : vector<16xf32>
        %add3A_245 = arith.addf %add3A_221, %mul3A_244 : vector<16xf32>
        %broadcast_in_dim3A_246 = arith.constant 17 : i32
        %broadcast_in_dim3A_247 = vector.broadcast %broadcast_in_dim3A_246 : i32 to vector<16xi32>
        %gather3A_248 = tpu.vector_load_idx %arg8[%add3A_129, %broadcast_in_dim3A_247] : memref<512x64xf32, #tpu.memory_space<vmem>>[vector<16xi32>, vector<16xi32>], vector<16xf32>,
        %add3A_249 = arith.addf %add3A_225, %gather3A_248 : vector<16xf32>
        %mul3A_250 = arith.mulf %gather3A_248, %gather3A_248 : vector<16xf32>
        %add3A_251 = arith.addf %add3A_227, %mul3A_250 : vector<16xf32>
        %broadcast_in_dim3A_252 = arith.constant 18 : i32
        %broadcast_in_dim3A_253 = vector.broadcast %broadcast_in_dim3A_252 : i32 to vector<16xi32>
        %gather3A_254 = tpu.vector_load_idx %arg8[%add3A_129, %broadcast_in_dim3A_253] : memref<512x64xf32, #tpu.memory_space<vmem>>[vector<16xi32>, vector<16xi32>], vector<16xf32>,
        %add3A_255 = arith.addf %add3A_231, %gather3A_254 : vector<16xf32>
        %mul3A_256 = arith.mulf %gather3A_254, %gather3A_254 : vector<16xf32>
        %add3A_257 = arith.addf %add3A_233, %mul3A_256 : vector<16xf32>
        %broadcast_in_dim3A_258 = arith.constant 19 : i32
        %broadcast_in_dim3A_259 = vector.broadcast %broadcast_in_dim3A_258 : i32 to vector<16xi32>
        %gather3A_260 = tpu.vector_load_idx %arg8[%add3A_129, %broadcast_in_dim3A_259] : memref<512x64xf32, #tpu.memory_space<vmem>>[vector<16xi32>, vector<16xi32>], vector<16xf32>,
        %add3A_261 = arith.addf %add3A_237, %gather3A_260 : vector<16xf32>
        %mul3A_262 = arith.mulf %gather3A_260, %gather3A_260 : vector<16xf32>
        %add3A_263 = arith.addf %add3A_239, %mul3A_262 : vector<16xf32>
        %broadcast_in_dim3A_264 = arith.constant 20 : i32
        %broadcast_in_dim3A_265 = vector.broadcast %broadcast_in_dim3A_264 : i32 to vector<16xi32>
        %gather3A_266 = tpu.vector_load_idx %arg8[%add3A_129, %broadcast_in_dim3A_265] : memref<512x64xf32, #tpu.memory_space<vmem>>[vector<16xi32>, vector<16xi32>], vector<16xf32>,
        %add3A_267 = arith.addf %add3A_243, %gather3A_266 : vector<16xf32>
        %mul3A_268 = arith.mulf %gather3A_266, %gather3A_266 : vector<16xf32>
        %add3A_269 = arith.addf %add3A_245, %mul3A_268 : vector<16xf32>
        %broadcast_in_dim3A_270 = arith.constant 21 : i32
        %broadcast_in_dim3A_271 = vector.broadcast %broadcast_in_dim3A_270 : i32 to vector<16xi32>
        %gather3A_272 = tpu.vector_load_idx %arg8[%add3A_129, %broadcast_in_dim3A_271] : memref<512x64xf32, #tpu.memory_space<vmem>>[vector<16xi32>, vector<16xi32>], vector<16xf32>,
        %add3A_273 = arith.addf %add3A_249, %gather3A_272 : vector<16xf32>
        %mul3A_274 = arith.mulf %gather3A_272, %gather3A_272 : vector<16xf32>
        %add3A_275 = arith.addf %add3A_251, %mul3A_274 : vector<16xf32>
        %broadcast_in_dim3A_276 = arith.constant 22 : i32
        %broadcast_in_dim3A_277 = vector.broadcast %broadcast_in_dim3A_276 : i32 to vector<16xi32>
        %gather3A_278 = tpu.vector_load_idx %arg8[%add3A_129, %broadcast_in_dim3A_277] : memref<512x64xf32, #tpu.memory_space<vmem>>[vector<16xi32>, vector<16xi32>], vector<16xf32>,
        %add3A_279 = arith.addf %add3A_255, %gather3A_278 : vector<16xf32>
        %mul3A_280 = arith.mulf %gather3A_278, %gather3A_278 : vector<16xf32>
        %add3A_281 = arith.addf %add3A_257, %mul3A_280 : vector<16xf32>
        %broadcast_in_dim3A_282 = arith.constant 23 : i32
        %broadcast_in_dim3A_283 = vector.broadcast %broadcast_in_dim3A_282 : i32 to vector<16xi32>
        %gather3A_284 = tpu.vector_load_idx %arg8[%add3A_129, %broadcast_in_dim3A_283] : memref<512x64xf32, #tpu.memory_space<vmem>>[vector<16xi32>, vector<16xi32>], vector<16xf32>,
        %add3A_285 = arith.addf %add3A_261, %gather3A_284 : vector<16xf32>
        %mul3A_286 = arith.mulf %gather3A_284, %gather3A_284 : vector<16xf32>
        %add3A_287 = arith.addf %add3A_263, %mul3A_286 : vector<16xf32>
        %broadcast_in_dim3A_288 = arith.constant 24 : i32
        %broadcast_in_dim3A_289 = vector.broadcast %broadcast_in_dim3A_288 : i32 to vector<16xi32>
        %gather3A_290 = tpu.vector_load_idx %arg8[%add3A_129, %broadcast_in_dim3A_289] : memref<512x64xf32, #tpu.memory_space<vmem>>[vector<16xi32>, vector<16xi32>], vector<16xf32>,
        %add3A_291 = arith.addf %add3A_267, %gather3A_290 : vector<16xf32>
        %mul3A_292 = arith.mulf %gather3A_290, %gather3A_290 : vector<16xf32>
        %add3A_293 = arith.addf %add3A_269, %mul3A_292 : vector<16xf32>
        %broadcast_in_dim3A_294 = arith.constant 25 : i32
        %broadcast_in_dim3A_295 = vector.broadcast %broadcast_in_dim3A_294 : i32 to vector<16xi32>
        %gather3A_296 = tpu.vector_load_idx %arg8[%add3A_129, %broadcast_in_dim3A_295] : memref<512x64xf32, #tpu.memory_space<vmem>>[vector<16xi32>, vector<16xi32>], vector<16xf32>,
        %add3A_297 = arith.addf %add3A_273, %gather3A_296 : vector<16xf32>
        %mul3A_298 = arith.mulf %gather3A_296, %gather3A_296 : vector<16xf32>
        %add3A_299 = arith.addf %add3A_275, %mul3A_298 : vector<16xf32>
        %broadcast_in_dim3A_300 = arith.constant 26 : i32
        %broadcast_in_dim3A_301 = vector.broadcast %broadcast_in_dim3A_300 : i32 to vector<16xi32>
        %gather3A_302 = tpu.vector_load_idx %arg8[%add3A_129, %broadcast_in_dim3A_301] : memref<512x64xf32, #tpu.memory_space<vmem>>[vector<16xi32>, vector<16xi32>], vector<16xf32>,
        %add3A_303 = arith.addf %add3A_279, %gather3A_302 : vector<16xf32>
        %mul3A_304 = arith.mulf %gather3A_302, %gather3A_302 : vector<16xf32>
        %add3A_305 = arith.addf %add3A_281, %mul3A_304 : vector<16xf32>
        %broadcast_in_dim3A_306 = arith.constant 27 : i32
        %broadcast_in_dim3A_307 = vector.broadcast %broadcast_in_dim3A_306 : i32 to vector<16xi32>
        %gather3A_308 = tpu.vector_load_idx %arg8[%add3A_129, %broadcast_in_dim3A_307] : memref<512x64xf32, #tpu.memory_space<vmem>>[vector<16xi32>, vector<16xi32>], vector<16xf32>,
        %add3A_309 = arith.addf %add3A_285, %gather3A_308 : vector<16xf32>
        %mul3A_310 = arith.mulf %gather3A_308, %gather3A_308 : vector<16xf32>
        %add3A_311 = arith.addf %add3A_287, %mul3A_310 : vector<16xf32>
        %broadcast_in_dim3A_312 = arith.constant 28 : i32
        %broadcast_in_dim3A_313 = vector.broadcast %broadcast_in_dim3A_312 : i32 to vector<16xi32>
        %gather3A_314 = tpu.vector_load_idx %arg8[%add3A_129, %broadcast_in_dim3A_313] : memref<512x64xf32, #tpu.memory_space<vmem>>[vector<16xi32>, vector<16xi32>], vector<16xf32>,
        %add3A_315 = arith.addf %add3A_291, %gather3A_314 : vector<16xf32>
        %mul3A_316 = arith.mulf %gather3A_314, %gather3A_314 : vector<16xf32>
        %add3A_317 = arith.addf %add3A_293, %mul3A_316 : vector<16xf32>
        %broadcast_in_dim3A_318 = arith.constant 29 : i32
        %broadcast_in_dim3A_319 = vector.broadcast %broadcast_in_dim3A_318 : i32 to vector<16xi32>
        %gather3A_320 = tpu.vector_load_idx %arg8[%add3A_129, %broadcast_in_dim3A_319] : memref<512x64xf32, #tpu.memory_space<vmem>>[vector<16xi32>, vector<16xi32>], vector<16xf32>,
        %add3A_321 = arith.addf %add3A_297, %gather3A_320 : vector<16xf32>
        %mul3A_322 = arith.mulf %gather3A_320, %gather3A_320 : vector<16xf32>
        %add3A_323 = arith.addf %add3A_299, %mul3A_322 : vector<16xf32>
        %broadcast_in_dim3A_324 = arith.constant 30 : i32
        %broadcast_in_dim3A_325 = vector.broadcast %broadcast_in_dim3A_324 : i32 to vector<16xi32>
        %gather3A_326 = tpu.vector_load_idx %arg8[%add3A_129, %broadcast_in_dim3A_325] : memref<512x64xf32, #tpu.memory_space<vmem>>[vector<16xi32>, vector<16xi32>], vector<16xf32>,
        %add3A_327 = arith.addf %add3A_303, %gather3A_326 : vector<16xf32>
        %mul3A_328 = arith.mulf %gather3A_326, %gather3A_326 : vector<16xf32>
        %add3A_329 = arith.addf %add3A_305, %mul3A_328 : vector<16xf32>
        %broadcast_in_dim3A_330 = arith.constant 31 : i32
        %broadcast_in_dim3A_331 = vector.broadcast %broadcast_in_dim3A_330 : i32 to vector<16xi32>
        %gather3A_332 = tpu.vector_load_idx %arg8[%add3A_129, %broadcast_in_dim3A_331] : memref<512x64xf32, #tpu.memory_space<vmem>>[vector<16xi32>, vector<16xi32>], vector<16xf32>,
        %add3A_333 = arith.addf %add3A_309, %gather3A_332 : vector<16xf32>
        %mul3A_334 = arith.mulf %gather3A_332, %gather3A_332 : vector<16xf32>
        %add3A_335 = arith.addf %add3A_311, %mul3A_334 : vector<16xf32>
        %broadcast_in_dim3A_336 = arith.constant 32 : i32
        %broadcast_in_dim3A_337 = vector.broadcast %broadcast_in_dim3A_336 : i32 to vector<16xi32>
        %gather3A_338 = tpu.vector_load_idx %arg8[%add3A_129, %broadcast_in_dim3A_337] : memref<512x64xf32, #tpu.memory_space<vmem>>[vector<16xi32>, vector<16xi32>], vector<16xf32>,
        %add3A_339 = arith.addf %add3A_315, %gather3A_338 : vector<16xf32>
        %mul3A_340 = arith.mulf %gather3A_338, %gather3A_338 : vector<16xf32>
        %add3A_341 = arith.addf %add3A_317, %mul3A_340 : vector<16xf32>
        %broadcast_in_dim3A_342 = arith.constant 33 : i32
        %broadcast_in_dim3A_343 = vector.broadcast %broadcast_in_dim3A_342 : i32 to vector<16xi32>
        %gather3A_344 = tpu.vector_load_idx %arg8[%add3A_129, %broadcast_in_dim3A_343] : memref<512x64xf32, #tpu.memory_space<vmem>>[vector<16xi32>, vector<16xi32>], vector<16xf32>,
        %add3A_345 = arith.addf %add3A_321, %gather3A_344 : vector<16xf32>
        %mul3A_346 = arith.mulf %gather3A_344, %gather3A_344 : vector<16xf32>
        %add3A_347 = arith.addf %add3A_323, %mul3A_346 : vector<16xf32>
        %broadcast_in_dim3A_348 = arith.constant 34 : i32
        %broadcast_in_dim3A_349 = vector.broadcast %broadcast_in_dim3A_348 : i32 to vector<16xi32>
        %gather3A_350 = tpu.vector_load_idx %arg8[%add3A_129, %broadcast_in_dim3A_349] : memref<512x64xf32, #tpu.memory_space<vmem>>[vector<16xi32>, vector<16xi32>], vector<16xf32>,
        %add3A_351 = arith.addf %add3A_327, %gather3A_350 : vector<16xf32>
        %mul3A_352 = arith.mulf %gather3A_350, %gather3A_350 : vector<16xf32>
        %add3A_353 = arith.addf %add3A_329, %mul3A_352 : vector<16xf32>
        %broadcast_in_dim3A_354 = arith.constant 35 : i32
        %broadcast_in_dim3A_355 = vector.broadcast %broadcast_in_dim3A_354 : i32 to vector<16xi32>
        %gather3A_356 = tpu.vector_load_idx %arg8[%add3A_129, %broadcast_in_dim3A_355] : memref<512x64xf32, #tpu.memory_space<vmem>>[vector<16xi32>, vector<16xi32>], vector<16xf32>,
        %add3A_357 = arith.addf %add3A_333, %gather3A_356 : vector<16xf32>
        %mul3A_358 = arith.mulf %gather3A_356, %gather3A_356 : vector<16xf32>
        %add3A_359 = arith.addf %add3A_335, %mul3A_358 : vector<16xf32>
        %broadcast_in_dim3A_360 = arith.constant 36 : i32
        %broadcast_in_dim3A_361 = vector.broadcast %broadcast_in_dim3A_360 : i32 to vector<16xi32>
        %gather3A_362 = tpu.vector_load_idx %arg8[%add3A_129, %broadcast_in_dim3A_361] : memref<512x64xf32, #tpu.memory_space<vmem>>[vector<16xi32>, vector<16xi32>], vector<16xf32>,
        %add3A_363 = arith.addf %add3A_339, %gather3A_362 : vector<16xf32>
        %mul3A_364 = arith.mulf %gather3A_362, %gather3A_362 : vector<16xf32>
        %add3A_365 = arith.addf %add3A_341, %mul3A_364 : vector<16xf32>
        %broadcast_in_dim3A_366 = arith.constant 37 : i32
        %broadcast_in_dim3A_367 = vector.broadcast %broadcast_in_dim3A_366 : i32 to vector<16xi32>
        %gather3A_368 = tpu.vector_load_idx %arg8[%add3A_129, %broadcast_in_dim3A_367] : memref<512x64xf32, #tpu.memory_space<vmem>>[vector<16xi32>, vector<16xi32>], vector<16xf32>,
        %add3A_369 = arith.addf %add3A_345, %gather3A_368 : vector<16xf32>
        %mul3A_370 = arith.mulf %gather3A_368, %gather3A_368 : vector<16xf32>
        %add3A_371 = arith.addf %add3A_347, %mul3A_370 : vector<16xf32>
        %broadcast_in_dim3A_372 = arith.constant 38 : i32
        %broadcast_in_dim3A_373 = vector.broadcast %broadcast_in_dim3A_372 : i32 to vector<16xi32>
        %gather3A_374 = tpu.vector_load_idx %arg8[%add3A_129, %broadcast_in_dim3A_373] : memref<512x64xf32, #tpu.memory_space<vmem>>[vector<16xi32>, vector<16xi32>], vector<16xf32>,
        %add3A_375 = arith.addf %add3A_351, %gather3A_374 : vector<16xf32>
        %mul3A_376 = arith.mulf %gather3A_374, %gather3A_374 : vector<16xf32>
        %add3A_377 = arith.addf %add3A_353, %mul3A_376 : vector<16xf32>
        %broadcast_in_dim3A_378 = arith.constant 39 : i32
        %broadcast_in_dim3A_379 = vector.broadcast %broadcast_in_dim3A_378 : i32 to vector<16xi32>
        %gather3A_380 = tpu.vector_load_idx %arg8[%add3A_129, %broadcast_in_dim3A_379] : memref<512x64xf32, #tpu.memory_space<vmem>>[vector<16xi32>, vector<16xi32>], vector<16xf32>,
        %add3A_381 = arith.addf %add3A_357, %gather3A_380 : vector<16xf32>
        %mul3A_382 = arith.mulf %gather3A_380, %gather3A_380 : vector<16xf32>
        %add3A_383 = arith.addf %add3A_359, %mul3A_382 : vector<16xf32>
        %broadcast_in_dim3A_384 = arith.constant 40 : i32
        %broadcast_in_dim3A_385 = vector.broadcast %broadcast_in_dim3A_384 : i32 to vector<16xi32>
        %gather3A_386 = tpu.vector_load_idx %arg8[%add3A_129, %broadcast_in_dim3A_385] : memref<512x64xf32, #tpu.memory_space<vmem>>[vector<16xi32>, vector<16xi32>], vector<16xf32>,
        %add3A_387 = arith.addf %add3A_363, %gather3A_386 : vector<16xf32>
        %mul3A_388 = arith.mulf %gather3A_386, %gather3A_386 : vector<16xf32>
        %add3A_389 = arith.addf %add3A_365, %mul3A_388 : vector<16xf32>
        %broadcast_in_dim3A_390 = arith.constant 41 : i32
        %broadcast_in_dim3A_391 = vector.broadcast %broadcast_in_dim3A_390 : i32 to vector<16xi32>
        %gather3A_392 = tpu.vector_load_idx %arg8[%add3A_129, %broadcast_in_dim3A_391] : memref<512x64xf32, #tpu.memory_space<vmem>>[vector<16xi32>, vector<16xi32>], vector<16xf32>,
        %add3A_393 = arith.addf %add3A_369, %gather3A_392 : vector<16xf32>
        %mul3A_394 = arith.mulf %gather3A_392, %gather3A_392 : vector<16xf32>
        %add3A_395 = arith.addf %add3A_371, %mul3A_394 : vector<16xf32>
        %broadcast_in_dim3A_396 = arith.constant 42 : i32
        %broadcast_in_dim3A_397 = vector.broadcast %broadcast_in_dim3A_396 : i32 to vector<16xi32>
        %gather3A_398 = tpu.vector_load_idx %arg8[%add3A_129, %broadcast_in_dim3A_397] : memref<512x64xf32, #tpu.memory_space<vmem>>[vector<16xi32>, vector<16xi32>], vector<16xf32>,
        %add3A_399 = arith.addf %add3A_375, %gather3A_398 : vector<16xf32>
        %mul3A_400 = arith.mulf %gather3A_398, %gather3A_398 : vector<16xf32>
        %add3A_401 = arith.addf %add3A_377, %mul3A_400 : vector<16xf32>
        %broadcast_in_dim3A_402 = arith.constant 43 : i32
        %broadcast_in_dim3A_403 = vector.broadcast %broadcast_in_dim3A_402 : i32 to vector<16xi32>
        %gather3A_404 = tpu.vector_load_idx %arg8[%add3A_129, %broadcast_in_dim3A_403] : memref<512x64xf32, #tpu.memory_space<vmem>>[vector<16xi32>, vector<16xi32>], vector<16xf32>,
        %add3A_405 = arith.addf %add3A_381, %gather3A_404 : vector<16xf32>
        %mul3A_406 = arith.mulf %gather3A_404, %gather3A_404 : vector<16xf32>
        %add3A_407 = arith.addf %add3A_383, %mul3A_406 : vector<16xf32>
        %broadcast_in_dim3A_408 = arith.constant 44 : i32
        %broadcast_in_dim3A_409 = vector.broadcast %broadcast_in_dim3A_408 : i32 to vector<16xi32>
        %gather3A_410 = tpu.vector_load_idx %arg8[%add3A_129, %broadcast_in_dim3A_409] : memref<512x64xf32, #tpu.memory_space<vmem>>[vector<16xi32>, vector<16xi32>], vector<16xf32>,
        %add3A_411 = arith.addf %add3A_387, %gather3A_410 : vector<16xf32>
        %mul3A_412 = arith.mulf %gather3A_410, %gather3A_410 : vector<16xf32>
        %add3A_413 = arith.addf %add3A_389, %mul3A_412 : vector<16xf32>
        %broadcast_in_dim3A_414 = arith.constant 45 : i32
        %broadcast_in_dim3A_415 = vector.broadcast %broadcast_in_dim3A_414 : i32 to vector<16xi32>
        %gather3A_416 = tpu.vector_load_idx %arg8[%add3A_129, %broadcast_in_dim3A_415] : memref<512x64xf32, #tpu.memory_space<vmem>>[vector<16xi32>, vector<16xi32>], vector<16xf32>,
        %add3A_417 = arith.addf %add3A_393, %gather3A_416 : vector<16xf32>
        %mul3A_418 = arith.mulf %gather3A_416, %gather3A_416 : vector<16xf32>
        %add3A_419 = arith.addf %add3A_395, %mul3A_418 : vector<16xf32>
        %broadcast_in_dim3A_420 = arith.constant 46 : i32
        %broadcast_in_dim3A_421 = vector.broadcast %broadcast_in_dim3A_420 : i32 to vector<16xi32>
        %gather3A_422 = tpu.vector_load_idx %arg8[%add3A_129, %broadcast_in_dim3A_421] : memref<512x64xf32, #tpu.memory_space<vmem>>[vector<16xi32>, vector<16xi32>], vector<16xf32>,
        %add3A_423 = arith.addf %add3A_399, %gather3A_422 : vector<16xf32>
        %mul3A_424 = arith.mulf %gather3A_422, %gather3A_422 : vector<16xf32>
        %add3A_425 = arith.addf %add3A_401, %mul3A_424 : vector<16xf32>
        %broadcast_in_dim3A_426 = arith.constant 47 : i32
        %broadcast_in_dim3A_427 = vector.broadcast %broadcast_in_dim3A_426 : i32 to vector<16xi32>
        %gather3A_428 = tpu.vector_load_idx %arg8[%add3A_129, %broadcast_in_dim3A_427] : memref<512x64xf32, #tpu.memory_space<vmem>>[vector<16xi32>, vector<16xi32>], vector<16xf32>,
        %add3A_429 = arith.addf %add3A_405, %gather3A_428 : vector<16xf32>
        %mul3A_430 = arith.mulf %gather3A_428, %gather3A_428 : vector<16xf32>
        %add3A_431 = arith.addf %add3A_407, %mul3A_430 : vector<16xf32>
        %broadcast_in_dim3A_432 = arith.constant 48 : i32
        %broadcast_in_dim3A_433 = vector.broadcast %broadcast_in_dim3A_432 : i32 to vector<16xi32>
        %gather3A_434 = tpu.vector_load_idx %arg8[%add3A_129, %broadcast_in_dim3A_433] : memref<512x64xf32, #tpu.memory_space<vmem>>[vector<16xi32>, vector<16xi32>], vector<16xf32>,
        %add3A_435 = arith.addf %add3A_411, %gather3A_434 : vector<16xf32>
        %mul3A_436 = arith.mulf %gather3A_434, %gather3A_434 : vector<16xf32>
        %add3A_437 = arith.addf %add3A_413, %mul3A_436 : vector<16xf32>
        %broadcast_in_dim3A_438 = arith.constant 49 : i32
        %broadcast_in_dim3A_439 = vector.broadcast %broadcast_in_dim3A_438 : i32 to vector<16xi32>
        %gather3A_440 = tpu.vector_load_idx %arg8[%add3A_129, %broadcast_in_dim3A_439] : memref<512x64xf32, #tpu.memory_space<vmem>>[vector<16xi32>, vector<16xi32>], vector<16xf32>,
        %add3A_441 = arith.addf %add3A_417, %gather3A_440 : vector<16xf32>
        %mul3A_442 = arith.mulf %gather3A_440, %gather3A_440 : vector<16xf32>
        %add3A_443 = arith.addf %add3A_419, %mul3A_442 : vector<16xf32>
        %broadcast_in_dim3A_444 = arith.constant 50 : i32
        %broadcast_in_dim3A_445 = vector.broadcast %broadcast_in_dim3A_444 : i32 to vector<16xi32>
        %gather3A_446 = tpu.vector_load_idx %arg8[%add3A_129, %broadcast_in_dim3A_445] : memref<512x64xf32, #tpu.memory_space<vmem>>[vector<16xi32>, vector<16xi32>], vector<16xf32>,
        %add3A_447 = arith.addf %add3A_423, %gather3A_446 : vector<16xf32>
        %mul3A_448 = arith.mulf %gather3A_446, %gather3A_446 : vector<16xf32>
        %add3A_449 = arith.addf %add3A_425, %mul3A_448 : vector<16xf32>
        %broadcast_in_dim3A_450 = arith.constant 51 : i32
        %broadcast_in_dim3A_451 = vector.broadcast %broadcast_in_dim3A_450 : i32 to vector<16xi32>
        %gather3A_452 = tpu.vector_load_idx %arg8[%add3A_129, %broadcast_in_dim3A_451] : memref<512x64xf32, #tpu.memory_space<vmem>>[vector<16xi32>, vector<16xi32>], vector<16xf32>,
        %add3A_453 = arith.addf %add3A_429, %gather3A_452 : vector<16xf32>
        %mul3A_454 = arith.mulf %gather3A_452, %gather3A_452 : vector<16xf32>
        %add3A_455 = arith.addf %add3A_431, %mul3A_454 : vector<16xf32>
        %broadcast_in_dim3A_456 = arith.constant 52 : i32
        %broadcast_in_dim3A_457 = vector.broadcast %broadcast_in_dim3A_456 : i32 to vector<16xi32>
        %gather3A_458 = tpu.vector_load_idx %arg8[%add3A_129, %broadcast_in_dim3A_457] : memref<512x64xf32, #tpu.memory_space<vmem>>[vector<16xi32>, vector<16xi32>], vector<16xf32>,
        %add3A_459 = arith.addf %add3A_435, %gather3A_458 : vector<16xf32>
        %mul3A_460 = arith.mulf %gather3A_458, %gather3A_458 : vector<16xf32>
        %add3A_461 = arith.addf %add3A_437, %mul3A_460 : vector<16xf32>
        %broadcast_in_dim3A_462 = arith.constant 53 : i32
        %broadcast_in_dim3A_463 = vector.broadcast %broadcast_in_dim3A_462 : i32 to vector<16xi32>
        %gather3A_464 = tpu.vector_load_idx %arg8[%add3A_129, %broadcast_in_dim3A_463] : memref<512x64xf32, #tpu.memory_space<vmem>>[vector<16xi32>, vector<16xi32>], vector<16xf32>,
        %add3A_465 = arith.addf %add3A_441, %gather3A_464 : vector<16xf32>
        %mul3A_466 = arith.mulf %gather3A_464, %gather3A_464 : vector<16xf32>
        %add3A_467 = arith.addf %add3A_443, %mul3A_466 : vector<16xf32>
        %broadcast_in_dim3A_468 = arith.constant 54 : i32
        %broadcast_in_dim3A_469 = vector.broadcast %broadcast_in_dim3A_468 : i32 to vector<16xi32>
        %gather3A_470 = tpu.vector_load_idx %arg8[%add3A_129, %broadcast_in_dim3A_469] : memref<512x64xf32, #tpu.memory_space<vmem>>[vector<16xi32>, vector<16xi32>], vector<16xf32>,
        %add3A_471 = arith.addf %add3A_447, %gather3A_470 : vector<16xf32>
        %mul3A_472 = arith.mulf %gather3A_470, %gather3A_470 : vector<16xf32>
        %add3A_473 = arith.addf %add3A_449, %mul3A_472 : vector<16xf32>
        %broadcast_in_dim3A_474 = arith.constant 55 : i32
        %broadcast_in_dim3A_475 = vector.broadcast %broadcast_in_dim3A_474 : i32 to vector<16xi32>
        %gather3A_476 = tpu.vector_load_idx %arg8[%add3A_129, %broadcast_in_dim3A_475] : memref<512x64xf32, #tpu.memory_space<vmem>>[vector<16xi32>, vector<16xi32>], vector<16xf32>,
        %add3A_477 = arith.addf %add3A_453, %gather3A_476 : vector<16xf32>
        %mul3A_478 = arith.mulf %gather3A_476, %gather3A_476 : vector<16xf32>
        %add3A_479 = arith.addf %add3A_455, %mul3A_478 : vector<16xf32>
        %broadcast_in_dim3A_480 = arith.constant 56 : i32
        %broadcast_in_dim3A_481 = vector.broadcast %broadcast_in_dim3A_480 : i32 to vector<16xi32>
        %gather3A_482 = tpu.vector_load_idx %arg8[%add3A_129, %broadcast_in_dim3A_481] : memref<512x64xf32, #tpu.memory_space<vmem>>[vector<16xi32>, vector<16xi32>], vector<16xf32>,
        %add3A_483 = arith.addf %add3A_459, %gather3A_482 : vector<16xf32>
        %mul3A_484 = arith.mulf %gather3A_482, %gather3A_482 : vector<16xf32>
        %add3A_485 = arith.addf %add3A_461, %mul3A_484 : vector<16xf32>
        %broadcast_in_dim3A_486 = arith.constant 57 : i32
        %broadcast_in_dim3A_487 = vector.broadcast %broadcast_in_dim3A_486 : i32 to vector<16xi32>
        %gather3A_488 = tpu.vector_load_idx %arg8[%add3A_129, %broadcast_in_dim3A_487] : memref<512x64xf32, #tpu.memory_space<vmem>>[vector<16xi32>, vector<16xi32>], vector<16xf32>,
        %add3A_489 = arith.addf %add3A_465, %gather3A_488 : vector<16xf32>
        %mul3A_490 = arith.mulf %gather3A_488, %gather3A_488 : vector<16xf32>
        %add3A_491 = arith.addf %add3A_467, %mul3A_490 : vector<16xf32>
        %broadcast_in_dim3A_492 = arith.constant 58 : i32
        %broadcast_in_dim3A_493 = vector.broadcast %broadcast_in_dim3A_492 : i32 to vector<16xi32>
        %gather3A_494 = tpu.vector_load_idx %arg8[%add3A_129, %broadcast_in_dim3A_493] : memref<512x64xf32, #tpu.memory_space<vmem>>[vector<16xi32>, vector<16xi32>], vector<16xf32>,
        %add3A_495 = arith.addf %add3A_471, %gather3A_494 : vector<16xf32>
        %mul3A_496 = arith.mulf %gather3A_494, %gather3A_494 : vector<16xf32>
        %add3A_497 = arith.addf %add3A_473, %mul3A_496 : vector<16xf32>
        %broadcast_in_dim3A_498 = arith.constant 59 : i32
        %broadcast_in_dim3A_499 = vector.broadcast %broadcast_in_dim3A_498 : i32 to vector<16xi32>
        %gather3A_500 = tpu.vector_load_idx %arg8[%add3A_129, %broadcast_in_dim3A_499] : memref<512x64xf32, #tpu.memory_space<vmem>>[vector<16xi32>, vector<16xi32>], vector<16xf32>,
        %add3A_501 = arith.addf %add3A_477, %gather3A_500 : vector<16xf32>
        %mul3A_502 = arith.mulf %gather3A_500, %gather3A_500 : vector<16xf32>
        %add3A_503 = arith.addf %add3A_479, %mul3A_502 : vector<16xf32>
        %broadcast_in_dim3A_504 = arith.constant 60 : i32
        %broadcast_in_dim3A_505 = vector.broadcast %broadcast_in_dim3A_504 : i32 to vector<16xi32>
        %gather3A_506 = tpu.vector_load_idx %arg8[%add3A_129, %broadcast_in_dim3A_505] : memref<512x64xf32, #tpu.memory_space<vmem>>[vector<16xi32>, vector<16xi32>], vector<16xf32>,
        %add3A_507 = arith.addf %add3A_483, %gather3A_506 : vector<16xf32>
        %mul3A_508 = arith.mulf %gather3A_506, %gather3A_506 : vector<16xf32>
        %add3A_509 = arith.addf %add3A_485, %mul3A_508 : vector<16xf32>
        %broadcast_in_dim3A_510 = arith.constant 61 : i32
        %broadcast_in_dim3A_511 = vector.broadcast %broadcast_in_dim3A_510 : i32 to vector<16xi32>
        %gather3A_512 = tpu.vector_load_idx %arg8[%add3A_129, %broadcast_in_dim3A_511] : memref<512x64xf32, #tpu.memory_space<vmem>>[vector<16xi32>, vector<16xi32>], vector<16xf32>,
        %add3A_513 = arith.addf %add3A_489, %gather3A_512 : vector<16xf32>
        %mul3A_514 = arith.mulf %gather3A_512, %gather3A_512 : vector<16xf32>
        %add3A_515 = arith.addf %add3A_491, %mul3A_514 : vector<16xf32>
        %broadcast_in_dim3A_516 = arith.constant 62 : i32
        %broadcast_in_dim3A_517 = vector.broadcast %broadcast_in_dim3A_516 : i32 to vector<16xi32>
        %gather3A_518 = tpu.vector_load_idx %arg8[%add3A_129, %broadcast_in_dim3A_517] : memref<512x64xf32, #tpu.memory_space<vmem>>[vector<16xi32>, vector<16xi32>], vector<16xf32>,
        %add3A_519 = arith.addf %add3A_495, %gather3A_518 : vector<16xf32>
        %mul3A_520 = arith.mulf %gather3A_518, %gather3A_518 : vector<16xf32>
        %add3A_521 = arith.addf %add3A_497, %mul3A_520 : vector<16xf32>
        %broadcast_in_dim3A_522 = arith.constant 63 : i32
        %broadcast_in_dim3A_523 = vector.broadcast %broadcast_in_dim3A_522 : i32 to vector<16xi32>
        %gather3A_524 = tpu.vector_load_idx %arg8[%add3A_129, %broadcast_in_dim3A_523] : memref<512x64xf32, #tpu.memory_space<vmem>>[vector<16xi32>, vector<16xi32>], vector<16xf32>,
        %add3A_525 = arith.addf %add3A_501, %gather3A_524 : vector<16xf32>
        %mul3A_526 = arith.mulf %gather3A_524, %gather3A_524 : vector<16xf32>
        %add3A_527 = arith.addf %add3A_503, %mul3A_526 : vector<16xf32>
        %add3A_528 = arith.addf %add3A_507, %add3A_513 : vector<16xf32>
        %add3A_529 = arith.addf %add3A_519, %add3A_525 : vector<16xf32>
        %add3A_530 = arith.addf %add3A_528, %add3A_529 : vector<16xf32>
        %add3A_531 = arith.addf %add3A_509, %add3A_515 : vector<16xf32>
        %add3A_532 = arith.addf %add3A_521, %add3A_527 : vector<16xf32>
        %add3A_533 = arith.addf %add3A_531, %add3A_532 : vector<16xf32>
        %mul3A_534 = arith.constant 1.562500e-02 : f32
        %mul3A_535 = vector.broadcast %mul3A_534 : f32 to vector<16xf32>
        %mul3A_536 = arith.mulf %add3A_530, %mul3A_535 : vector<16xf32>
        %mul3A_537 = arith.constant 1.562500e-02 : f32
        %mul3A_538 = vector.broadcast %mul3A_537 : f32 to vector<16xf32>
        %mul3A_539 = arith.mulf %add3A_533, %mul3A_538 : vector<16xf32>
        %mul3A_540 = arith.mulf %mul3A_536, %mul3A_536 : vector<16xf32>
        %sub3A = arith.subf %mul3A_539, %mul3A_540 : vector<16xf32>
        %swap3A = arith.index_cast %mul3A_127 : i32 to index
        %swap3A_541 = tpu.vector_load %arg9[%swap3A] {strides = array<i32>} : memref<512xf32, #tpu.memory_space<vmem>>, vector<16xf32>,
        tpu.vector_store %arg9[%swap3A], %mul3A_536 {strides = array<i32>} : memref<512xf32, #tpu.memory_space<vmem>>, vector<16xf32>,
        %add3A_542 = arith.constant 9.99999997E-7 : f32
        %add3A_543 = vector.broadcast %add3A_542 : f32 to vector<16xf32>
        %add3A_544 = arith.addf %sub3A, %add3A_543 : vector<16xf32>
        %bitcast_convert_type3A = tpu.bitcast %add3A_544 : vector<16xf32> -> vector<16xi32>
        %shift_right_arithmetic3A = arith.constant 1 : i32
        %shift_right_arithmetic3A_545 = vector.broadcast %shift_right_arithmetic3A : i32 to vector<16xi32>
        %shift_right_arithmetic3A_546 = arith.shrsi %bitcast_convert_type3A, %shift_right_arithmetic3A_545 : vector<16xi32>
        %sub3A_547 = arith.constant 1597463007 : i32
        %sub3A_548 = vector.broadcast %sub3A_547 : i32 to vector<16xi32>
        %sub3A_549 = arith.subi %sub3A_548, %shift_right_arithmetic3A_546 : vector<16xi32>
        %bitcast_convert_type3A_550 = tpu.bitcast %sub3A_549 : vector<16xi32> -> vector<16xf32>
        %mul3A_551 = arith.constant 5.000000e-01 : f32
        %mul3A_552 = vector.broadcast %mul3A_551 : f32 to vector<16xf32>
        %mul3A_553 = arith.mulf %mul3A_552, %add3A_544 : vector<16xf32>
        %mul3A_554 = arith.mulf %mul3A_553, %bitcast_convert_type3A_550 : vector<16xf32>
        %mul3A_555 = arith.mulf %mul3A_554, %bitcast_convert_type3A_550 : vector<16xf32>
        %sub3A_556 = arith.constant 1.500000e+00 : f32
        %sub3A_557 = vector.broadcast %sub3A_556 : f32 to vector<16xf32>
        %sub3A_558 = arith.subf %sub3A_557, %mul3A_555 : vector<16xf32>
        %mul3A_559 = arith.mulf %bitcast_convert_type3A_550, %sub3A_558 : vector<16xf32>
        %mul3A_560 = arith.constant 5.000000e-01 : f32
        %mul3A_561 = vector.broadcast %mul3A_560 : f32 to vector<16xf32>
        %mul3A_562 = arith.mulf %mul3A_561, %add3A_544 : vector<16xf32>
        %mul3A_563 = arith.mulf %mul3A_562, %mul3A_559 : vector<16xf32>
        %mul3A_564 = arith.mulf %mul3A_563, %mul3A_559 : vector<16xf32>
        %sub3A_565 = arith.constant 1.500000e+00 : f32
        %sub3A_566 = vector.broadcast %sub3A_565 : f32 to vector<16xf32>
        %sub3A_567 = arith.subf %sub3A_566, %mul3A_564 : vector<16xf32>
        %mul3A_568 = arith.mulf %mul3A_559, %sub3A_567 : vector<16xf32>
        %mul3A_569 = arith.constant 5.000000e-01 : f32
        %mul3A_570 = vector.broadcast %mul3A_569 : f32 to vector<16xf32>
        %mul3A_571 = arith.mulf %mul3A_570, %add3A_544 : vector<16xf32>
        %mul3A_572 = arith.mulf %mul3A_571, %mul3A_568 : vector<16xf32>
        %mul3A_573 = arith.mulf %mul3A_572, %mul3A_568 : vector<16xf32>
        %sub3A_574 = arith.constant 1.500000e+00 : f32
        %sub3A_575 = vector.broadcast %sub3A_574 : f32 to vector<16xf32>
        %sub3A_576 = arith.subf %sub3A_575, %mul3A_573 : vector<16xf32>
        %mul3A_577 = arith.mulf %mul3A_568, %sub3A_576 : vector<16xf32>
        %swap3A_578 = arith.index_cast %mul3A_127 : i32 to index
        %swap3A_579 = tpu.vector_load %arg10[%swap3A_578] {strides = array<i32>} : memref<512xf32, #tpu.memory_space<vmem>>, vector<16xf32>,
        tpu.vector_store %arg10[%swap3A_578], %mul3A_577 {strides = array<i32>} : memref<512xf32, #tpu.memory_space<vmem>>, vector<16xf32>,
        %scan3A_580 = arith.constant 0 : i32
        scf.yield %scan3A_580 : i32
      }
      %scan3A_113 = arith.constant 32 : i32
      %scan3A_114 = arith.constant 0 : i32
      %scan3A_115 = arith.constant 0 : i32
      %scan3A_116 = arith.constant 512 : i32
      %scan3A_117 = arith.addi %scan3A_115, %scan3A_116 : i32
      %scan3A_118 = arith.constant 1 : i32
      %scan3A_119 = scf.for %scan3A_124 = %scan3A_115 to %scan3A_117 step %scan3A_118 iter_args(%scan3A_125 = %scan3A_114) -> (i32)  : i32 {
        %broadcast_in_dim3A = vector.broadcast %scan3A_124 : i32 to vector<16xi32>
        %gather3A = tpu.vector_load_idx %arg9[%broadcast_in_dim3A] : memref<512xf32, #tpu.memory_space<vmem>>[vector<16xi32>], vector<16xf32>,
        %gather3A_126 = tpu.vector_load_idx %arg10[%broadcast_in_dim3A] : memref<512xf32, #tpu.memory_space<vmem>>[vector<16xi32>], vector<16xf32>,
        %get3A_127 = arith.index_cast %scan3A_124 : i32 to index
        %get3A_128 = arith.constant 0 : index
        %get3A_129 = tpu.vector_load %arg8[%get3A_127, %get3A_128] {strides = array<i32>} : memref<512x64xf32, #tpu.memory_space<vmem>>, vector<16xf32>,
        %sub3A = arith.subf %get3A_129, %gather3A : vector<16xf32>
        %mul3A_130 = arith.mulf %sub3A, %gather3A_126 : vector<16xf32>
        %mul3A_131 = arith.mulf %mul3A_130, %get3A_1 : vector<16xf32>
        %add3A_132 = arith.addf %mul3A_131, %get3A_9 : vector<16xf32>
        %swap3A = arith.index_cast %scan3A_124 : i32 to index
        %swap3A_133 = arith.constant 0 : index
        %swap3A_134 = tpu.vector_load %arg8[%swap3A, %swap3A_133] {strides = array<i32>} : memref<512x64xf32, #tpu.memory_space<vmem>>, vector<16xf32>,
        tpu.vector_store %arg8[%swap3A, %swap3A_133], %add3A_132 {strides = array<i32>} : memref<512x64xf32, #tpu.memory_space<vmem>>, vector<16xf32>,
        %get3A_135 = arith.index_cast %scan3A_124 : i32 to index
        %get3A_136 = arith.constant 16 : index
        %get3A_137 = tpu.vector_load %arg8[%get3A_135, %get3A_136] {strides = array<i32>} : memref<512x64xf32, #tpu.memory_space<vmem>>, vector<16xf32>,
        %sub3A_138 = arith.subf %get3A_137, %gather3A : vector<16xf32>
        %mul3A_139 = arith.mulf %sub3A_138, %gather3A_126 : vector<16xf32>
        %mul3A_140 = arith.mulf %mul3A_139, %get3A_3 : vector<16xf32>
        %add3A_141 = arith.addf %mul3A_140, %get3A_11 : vector<16xf32>
        %swap3A_142 = arith.index_cast %scan3A_124 : i32 to index
        %swap3A_143 = arith.constant 16 : index
        %swap3A_144 = tpu.vector_load %arg8[%swap3A_142, %swap3A_143] {strides = array<i32>} : memref<512x64xf32, #tpu.memory_space<vmem>>, vector<16xf32>,
        tpu.vector_store %arg8[%swap3A_142, %swap3A_143], %add3A_141 {strides = array<i32>} : memref<512x64xf32, #tpu.memory_space<vmem>>, vector<16xf32>,
        %get3A_145 = arith.index_cast %scan3A_124 : i32 to index
        %get3A_146 = arith.constant 32 : index
        %get3A_147 = tpu.vector_load %arg8[%get3A_145, %get3A_146] {strides = array<i32>} : memref<512x64xf32, #tpu.memory_space<vmem>>, vector<16xf32>,
        %sub3A_148 = arith.subf %get3A_147, %gather3A : vector<16xf32>
        %mul3A_149 = arith.mulf %sub3A_148, %gather3A_126 : vector<16xf32>
        %mul3A_150 = arith.mulf %mul3A_149, %get3A_5 : vector<16xf32>
        %add3A_151 = arith.addf %mul3A_150, %get3A_13 : vector<16xf32>
        %swap3A_152 = arith.index_cast %scan3A_124 : i32 to index
        %swap3A_153 = arith.constant 32 : index
        %swap3A_154 = tpu.vector_load %arg8[%swap3A_152, %swap3A_153] {strides = array<i32>} : memref<512x64xf32, #tpu.memory_space<vmem>>, vector<16xf32>,
        tpu.vector_store %arg8[%swap3A_152, %swap3A_153], %add3A_151 {strides = array<i32>} : memref<512x64xf32, #tpu.memory_space<vmem>>, vector<16xf32>,
        %get3A_155 = arith.index_cast %scan3A_124 : i32 to index
        %get3A_156 = arith.constant 48 : index
        %get3A_157 = tpu.vector_load %arg8[%get3A_155, %get3A_156] {strides = array<i32>} : memref<512x64xf32, #tpu.memory_space<vmem>>, vector<16xf32>,
        %sub3A_158 = arith.subf %get3A_157, %gather3A : vector<16xf32>
        %mul3A_159 = arith.mulf %sub3A_158, %gather3A_126 : vector<16xf32>
        %mul3A_160 = arith.mulf %mul3A_159, %get3A_7 : vector<16xf32>
        %add3A_161 = arith.addf %mul3A_160, %get3A_15 : vector<16xf32>
        %swap3A_162 = arith.index_cast %scan3A_124 : i32 to index
        %swap3A_163 = arith.constant 48 : index
        %swap3A_164 = tpu.vector_load %arg8[%swap3A_162, %swap3A_163] {strides = array<i32>} : memref<512x64xf32, #tpu.memory_space<vmem>>, vector<16xf32>,
        tpu.vector_store %arg8[%swap3A_162, %swap3A_163], %add3A_161 {strides = array<i32>} : memref<512x64xf32, #tpu.memory_space<vmem>>, vector<16xf32>,
        %scan3A_165 = arith.constant 0 : i32
        scf.yield %scan3A_165 : i32
      }
      %scan3A_120 = arith.constant 512 : i32
      %mul3A_121 = arith.constant 128 : i32
      %mul3A_122 = arith.muli %add3A_28, %mul3A_121 : i32
      "tpu.region"() ({
        %run_scoped3A = tpu.sem_alloc : memref<!tpu.dma_semaphore, #tpu.memory_space<semaphore_mem>>
        %dma_start3A_124 = arith.constant 0 : i32
        %dma_start3A_125 = tpu.memref_slice %arg6[%mul3A_122, %dma_start3A_124] : memref<819200x64xf32, #tpu.memory_space<hbm>> -> memref<512x64xf32, #tpu.memory_space<hbm>>
        %dma_start3A_126 = arith.constant 0 : i32
        %dma_start3A_127 = tpu.memref_slice %arg6[%mul3A_122, %dma_start3A_126] : memref<819200x64xf32, #tpu.memory_space<hbm>> -> memref<512x64xf32, #tpu.memory_space<hbm>>
        tpu.enqueue_dma source(%arg8 : memref<512x64xf32, #tpu.memory_space<vmem>>) target(%dma_start3A_127 : memref<512x64xf32, #tpu.memory_space<hbm>>) target_semaphore(%run_scoped3A : memref<!tpu.dma_semaphore, #tpu.memory_space<semaphore_mem>>)
        %dma_wait3A_128 = arith.constant 0 : i32
        %dma_wait3A_129 = tpu.memref_slice %arg6[%mul3A_122, %dma_wait3A_128] : memref<819200x64xf32, #tpu.memory_space<hbm>> -> memref<512x64xf32, #tpu.memory_space<hbm>>
        %dma_wait3A_130 = arith.constant 0 : i32
        %dma_wait3A_131 = tpu.memref_slice %arg6[%mul3A_122, %dma_wait3A_130] : memref<819200x64xf32, #tpu.memory_space<hbm>> -> memref<512x64xf32, #tpu.memory_space<hbm>>
        tpu.wait_dma2 semaphore(%run_scoped3A : memref<!tpu.dma_semaphore, #tpu.memory_space<semaphore_mem>>) src(%arg8 : memref<512x64xf32, #tpu.memory_space<vmem>>) dst(%dma_wait3A_131 : memref<512x64xf32, #tpu.memory_space<hbm>>)
        tpu.yield
      }) : () -> ()
      %scan3A_123 = arith.constant 0 : i32
      scf.yield %scan3A_123 : i32
    }
    %scan3A_23 = arith.constant 50 : i32
    return
  }
}

</mosaic_0001>

<sc_bundles>
// kernel: kernel.3.cloned.1.call-start
scs
__scs_entry_jumppad:
0x0: {  	(pc) =	sbr.rel $0x88, $3  }
0x1: {  	(tag) =	ssettag $0x0;
	lr =	simm.s32 $0x1  }
0x2: {  	[smem:$0x3F9D] =	sst lr;
	_ =	strace $0xD0000000  }
0x3: {  	_ = 	snop  }
0x4: {  	_ = 	snop  }
0x5: {  	_ = 	snop  }
0x6: {  	_ = 	snop  }
0x7: {  	_ = 	snop  }
__scs_overlays_trampoline_lowered:
0x8: {  	[smem:$0x3FAC] =	sst s0  }
0x9: {  	[smem:$0x3FAD] =	sst s1  }
0xa: {  	[smem:$0x3FAE] =	sst s2  }
0xb: {  	[smem:$0x3FAF] =	sst s3  }
0xc: {  	[smem:$0x3FB0] =	sst s4  }
0xd: {  	[smem:$0x3FB1] =	sst s5  }
0xe: {  	[smem:$0x3FB2] =	sst s6  }
0xf: {  	[smem:$0x3FB3] =	sst s7  }
0x10: {  	[smem:$0x3FB4] =	sst s8  }
0x11: {  	[smem:$0x3FB5] =	sst s9;
	s0 =	simm.s32 @!p0 $0x0  }
0x12: {  	s1 =	sld [smem:$0x3F9B];
	s0 =	simm.s32 @p0 $0x1  }
0x13: {  	[smem:$0x3FB6] =	sst s0;
	s0 =	simm.s32 @!p1 $0x0  }
0x14: {  	s2 =	sld [smem:$0x3F9A];
	s0 =	simm.s32 @p1 $0x1  }
0x15: {  	[smem:$0x3FB7] =	sst s0;
	s0 =	simm.s32 @!p2 $0x0  }
0x16: {  	s3 =	sld [smem:$0x3FDB];
	s0 =	simm.s32 @p2 $0x1  }
0x17: {  	s4 =	simm.s32 $0x1BF5;
	[smem:$0x3FB9] =	sst s0  }
0x18: {  	s0 =	sld [smem:$0x3F9C];
	_ =	swait.ge [sflag:s4], $0x0  }
0x19: {  	s7 =	sld [smem:$0x3F9D]  }
0x1a: {  	s8 =	sadd.s32 $0xFFFFE003, lr  }
0x1b: {  	s9 =	sadd.s32 $0xFFFFFEF7, lr;
	s5 =	simm.s32 $0xFFFFFFFF;
	p2 =	slt.u32 s8, $0xFFFFF086  }
0x1c: {  	p1 =	slt.u32 s9, $0xF7A;
	s5 =	simm.s32 @!p2 $0x0  }
0x1d: {  	s5 =	simm.s32 @p1 $0x1;
	p0 =	seq.s32 s7, s2  }
0x1e: {  	s7 =	smul.u32 @!p0 $0xF7A, s2;
	p2 =	seq.s32 @!p0 s5, $0x0  }
0x1f: {  	s9 =	smul.u32 $0xF7A, s1;
	s8 =	simm.s32 @!p0 $0x1BF5;
	p2 =	por !p2, p0  }
0x20: {  	[sflag:s8] =	ssyncset.s32 @!p0 $0xFFFFF086;
	s6 =	sadd.s32 @!p0 s3, s7;
	s7 =	simm.s32 @!p0 $0x108  }
0x21: {  	s3 =	sadd.s32 s3, s9;
	s6 =	sadd.s32 @!p0 $0x88, s6;
	s7 =	simm.s32 @p2 $0x1082  }
0x22: {  	[simem:s7], [sflag:s8] =	dma.local @!p0 [hbm:s6], $0xF7A  }
0x23: {  	s9 =	sor.u32 $0xD0000000, s2;
	s6 =	simm.s32 $0x108;
	_ =	swait.ge @!p0 [sflag:s8], $0x0  }
0x24: {  	s3 =	sadd.s32 $0x88, s3;
	s6 =	simm.s32 @!p1 $0x1082;
	[sflag:s4] =	ssyncset.s32 $0xFFFFF086  }
0x25: {  	[simem:s6], [sflag:s4] =	dma.local [hbm:s3], $0xF7A  }
0x26: {  	[smem:$0x3F9D] =	sst s1;
	(tag) =	ssettag s2;
	_ =	strace s9  }
0x27: {  	s1 =	sld [smem:$0x3FAD]  }
0x28: {  	s2 =	sld [smem:$0x3FAE]  }
0x29: {  	s4 =	sld [smem:$0x3FB0]  }
0x2a: {  	p0 =	seq.s32 s5, $0x0;
	s5 =	sld [smem:$0x3FB1]  }
0x2b: {  	s6 =	sld [smem:$0x3FB2]  }
0x2c: {  	s7 =	sld [smem:$0x3FB3]  }
0x2d: {  	s3 =	simm.s32 $0x108;
	s8 =	sld [smem:$0x3FB4]  }
0x2e: {  	s3 =	simm.s32 @!p0 $0x1082;
	s9 =	sld [smem:$0x3FB5]  }
0x2f: {  	lr =	sadd.s32 s0, s3;
	s0 =	sld [smem:$0x3FAC]  }
0x30: {  	s3 =	sld [smem:$0x3FAF]  }
0x31: {  	[smem:$0x3FB8] =	sst s10  }
0x32: {  	s10 =	sld [smem:$0x3FB6];
	_ =	sdelay $0x3  }
0x33: {  	p0 =	seq.s32 s10, $0x1;
	s10 =	sld [smem:$0x3FB8];
	_ =	sdelay $0x3  }
0x34: {  	[smem:$0x3FB8] =	sst s10  }
0x35: {  	s10 =	sld [smem:$0x3FB7];
	_ =	sdelay $0x3  }
0x36: {  	p1 =	seq.s32 s10, $0x1;
	s10 =	sld [smem:$0x3FB8];
	_ =	sdelay $0x3  }
0x37: {  	[smem:$0x3FB8] =	sst s10  }
0x38: {  	s10 =	sld [smem:$0x3FB9]  }
0x39: {  	_ = 	snop;
	(pc) =	sbr.ind lr, $3  }
0x3a: {  	_ = 	snop  }
0x3b: {  	_ = 	snop  }
0x3c: {  	p2 =	seq.s32 s10, $0x1;
	s10 =	sld [smem:$0x3FB8]  }
0x3d: {  	_ =	shalt  }
0x3e: {  	_ =	shalt  }
0x3f: {  	_ =	shalt  }
0x40: {  	_ =	shalt  }
0x41: {  	_ =	shalt  }
0x42: {  	_ =	shalt  }
0x43: {  	_ =	shalt  }
0x44: {  	_ =	shalt  }
0x45: {  	_ =	shalt  }
0x46: {  	_ =	shalt  }
0x47: {  	_ =	shalt  }
0x48: {  	_ =	shalt  }
0x49: {  	_ =	shalt  }
0x4a: {  	_ =	shalt  }
0x4b: {  	_ =	shalt  }
0x4c: {  	_ =	shalt  }
0x4d: {  	_ =	shalt  }
0x4e: {  	_ =	shalt  }
0x4f: {  	_ =	shalt  }
0x50: {  	_ =	shalt  }
0x51: {  	_ =	shalt  }
0x52: {  	_ =	shalt  }
0x53: {  	_ =	shalt  }
0x54: {  	_ =	shalt  }
0x55: {  	_ =	shalt  }
0x56: {  	_ =	shalt  }
0x57: {  	_ =	shalt  }
0x58: {  	_ =	shalt  }
0x59: {  	_ =	shalt  }
0x5a: {  	_ =	shalt  }
0x5b: {  	_ =	shalt  }
0x5c: {  	_ =	shalt  }
0x5d: {  	_ =	shalt  }
0x5e: {  	_ =	shalt  }
0x5f: {  	_ =	shalt  }
0x60: {  	_ =	shalt  }
0x61: {  	_ =	shalt  }
0x62: {  	_ =	shalt  }
0x63: {  	_ =	shalt  }
0x64: {  	_ =	shalt  }
0x65: {  	_ =	shalt  }
0x66: {  	_ =	shalt  }
0x67: {  	_ =	shalt  }
0x68: {  	_ =	shalt  }
0x69: {  	_ =	shalt  }
0x6a: {  	_ =	shalt  }
0x6b: {  	_ =	shalt  }
0x6c: {  	_ =	shalt  }
0x6d: {  	_ =	shalt  }
0x6e: {  	_ =	shalt  }
0x6f: {  	_ =	shalt  }
0x70: {  	_ =	shalt  }
0x71: {  	_ =	shalt  }
0x72: {  	_ =	shalt  }
0x73: {  	_ =	shalt  }
0x74: {  	_ =	shalt  }
0x75: {  	_ =	shalt  }
0x76: {  	_ =	shalt  }
0x77: {  	_ =	shalt  }
0x78: {  	_ =	shalt  }
0x79: {  	_ =	shalt  }
0x7a: {  	_ =	shalt  }
0x7b: {  	_ =	shalt  }
0x7c: {  	_ =	shalt  }
0x7d: {  	_ =	shalt  }
0x7e: {  	_ =	shalt  }
0x7f: {  	_ =	shalt  }
0x80: {  	_ =	shalt  }
0x81: {  	_ =	shalt  }
0x82: {  	_ =	shalt  }
0x83: {  	_ =	shalt  }
0x84: {  	_ =	shalt  }
0x85: {  	_ =	shalt  }
0x86: {  	_ =	shalt  }
0x87: {  	_ =	shalt  }
.Lfunc_end0:
.L_simem_size_0:
called_computation.1_lowered:
.L_overlay_start_0:
0x88: {  	s2 =	sld [smem:$0x3FD9]  }
0x89: {  	s3 =	sld [smem:$0x3FFE];
	_ =	sdelay $0x1  }
0x8a: {  	s1 =	srdreg.scid  }
0x8b: {  	s0 =	sand.u32 $0x1, s1  }
0x8c: {  	s17 =	sshll.u32 s0, $0xA;
	s2 =	sadd.s32 s3, s2  }
0x8d: {  	s2 =	sadd.s32 s2, s17  }
0x8e: {  	[smem:$0x3FC4] =	sst s2  }
0x8f: {  	_ = 	snop  }
0x90: {  	s2 =	sld [smem:$0x3FC7]  }
0x91: {  	s18 =	sld [smem:$0x3FC6]  }
0x92: {  	s4 =	sld [smem:$0x3FD0];
	(tm) =	ssettm $0x1  }
0x93: {  	s5 =	sld [smem:$0x3FFB];
	_ =	sdelay $0x3  }
0x94: {  	_ =	strace s5  }
0x95: {  	s5 =	sld [smem:$0x3FFC];
	_ =	sdelay $0x3  }
0x96: {  	_ =	strace s5  }
0x97: {  	s5 =	sld [smem:$0x3FFD];
	_ =	sdelay $0x3  }
0x98: {  	_ =	strace s5  }
0x99: {  	_ =	strace $0x8FFFFFFF  }
0x9a: {  	s19 =	sld [smem:$0x3FDB];
	_ =	sdelay $0x1  }
0x9b: {  	s6 =	simm.s32 $_scs_section_size  }
0x9c: {  	s7 =	simm.s32 $_size__tile_overlayer_lowered;
	s8 =	simm.s32 $_tile_overlayer_lowered  }
0x9d: {  	s22 =	simm.s32 $0x1BFF;
	s21 =	sshll.u32 s8, $0x1;
	s5 =	sadd.s32 s6, s19  }
0x9e: {  	s9 =	simm.s32 $0x0;
	s20 =	sshll.u32 s7, $0x1;
	s7 =	sadd.s32 s21, s5  }
0x9f: {  	[timem:s9], [sflag:s22] =	dma.local [hbm:s7], s20  }
0xa0: {  	_ =	swait.ge [sflag:s22], s20  }
0xa1: {  	s6 =	ssub.s32 $0x0, s20;
	[sflag:s22] =	ssyncset.done $0x0  }
0xa2: {  	[sflag:s22] =	ssyncadd.s32 s6;
	_ =	sdelay $0x1  }
0xa3: {  	s23 =	simm.s32 $0x1B8B  }
0xa4: {  	_ =	swait.ge [sflag:s23], $0x1  }
0xa5: {  	[sflag:s23] =	ssyncset.done $0x0  }
0xa6: {  	s25 =	simm.s32 $0x1B8E;
	s24 =	sld [smem:$0x3FFE];
	[sflag:s23] =	ssyncadd.s32 $0xFFFFFFFF  }
0xa7: {  	s26 =	simm.s32 $execute0_lowered;
	[smem:$0x3FD2] =	sst s25  }
0xa8: {  	s7 =	sshll.u32 s26, $0x1;
	_ =	strace $0x80000046;
	[dreg:$0x1] =	wrdreg $0xFFFFFFFF  }
0xa9: {  	s28 =	simm.s32 $_size_execute0_lowered;
	s5 =	sadd.s32 s5, s7;
	[dreg:$0x0] =	wrdreg $0x0  }
0xaa: {  	s7 =	sshll.u32 s28, $0x1;
	[dreg:$0x2] =	wrdreg s5  }
0xab: {  	[dreg:$0x3] =	wrdreg s7  }
0xac: {  	[dreg:$0x4] =	wrdreg $0xC0  }
0xad: {  	_ =	task [dreg:s9], $0x5FFFF  }
0xae: {  	[dreg:$0x1] =	wrdreg $0xFFFFFFFF  }
0xaf: {  	[dreg:$0x0] =	wrdreg $0x60  }
0xb0: {  	[dreg:$0x2] =	wrdreg s24  }
0xb1: {  	[dreg:$0x3] =	wrdreg s2  }
0xb2: {  	[dreg:$0x4] =	wrdreg s18  }
0xb3: {  	[dreg:$0x5] =	wrdreg s4  }
0xb4: {  	[dreg:$0x6] =	wrdreg $0x9  }
0xb5: {  	_ =	task.clear_ibuf [dreg:s9], $0x7FFFF;
	_ =	strace $0x90000046  }
0xb6: {  	s29 =	simm.s32 $0x9;
	_ =	strace $0x80000048  }
0xb7: {  	_ =	swait.ge [sflag:s29], $0x1  }
0xb8: {  	[sflag:s29] =	ssyncadd.s32 $0xFFFFFFFF  }
0xb9: {  	_ =	strace $0x90000048  }
0xba: {  	_ =	sfence  }
0xbb: {  	s30 =	sld [smem:$0x0];
	_ =	sdelay $0x2  }
0xbc: {  	s31 =	sshll.u32 s1, $0xD;
	s1 =	sshrl.u32 s1, $0x2  }
0xbd: {  	s3 =	sand.u32 $0x4000, s31;
	s1 =	sadd.s32 s1, s30  }
0xbe: {  	s0 =	sor.u32 s3, s0;
	s1 =	sshll.u32 s1, $0x11  }
0xbf: {  	s0 =	sor.u32 s1, s0  }
0xc0: {  	s0 =	sadd.s32 $0x8F2B, s0  }
0xc1: {  	[sflag:s0] =	ssyncadd.remote.s32 $0x1  }
0xc2: {  	_ =	sfence.sel $0xFFFF  }
0xc3: {  	[dreg:$0x0] =	wrdreg $0xFFFFFFFF;
	(pc) =	sbr.abs _section_cstart, $3  }
0xc4: {  	[dreg:$0x1] =	wrdreg $0xFFFFFFFF  }
0xc5: {  	_ =	task.clear_ibuf [dreg:s9], $0x2FFFF;
	_ =	strace $0x9FFFFFFF  }
0xc6: {  	(tm) =	ssettm $0x7FFFFFFF  }
0xc7: {  	_ =	shalt  }
tec
execute0_lowered:
.L_overlay_start_1:
0x0: {  	(tag) =	ssettag $0x1  }
0x1: {  	s7 =	rddreg [dreg:$0x0]  }
0x2: {  	s1 =	rddreg [dreg:$0x1]  }
0x3: {  	s2 =	rddreg [dreg:$0x2]  }
0x4: {  	s3 =	rddreg [dreg:$0x3]  }
0x5: {  	s0 =	rddreg [dreg:$0x4];
	s5 =	simm.s32 $0x0;
	s6 =	srdreg.scid  }
0x6: {  	s4 =	stileid.u32;
	s12 =	simm.s32 $0x8640;
	s13 =	simm.s32 $0x80  }
0x7: {  	s14 =	simm.s32 $0x200;
	s15 =	simm.s32 $0x2200;
	s16 =	simm.s32 $0x100  }
0x8: {  	s17 =	simm.s32 $0x4200;
	s18 =	simm.s32 $0x180;
	s19 =	simm.s32 $0x6200  }
0x9: {  	s20 =	simm.s32 $0x1;
	s21 =	simm.s32 $0x8200;
	s22 =	simm.s32 $0x8400  }
0xa: {  	s23 =	simm.s32 $0x0;
	[smem:$0x7FF] =	sst s5;
	s8 =	sand.u32 $0x1, s6  }
0xb: {  	v0 =	vlaneseq.u32;
	s10 =	sshll.u32 s4, $0x1;
	s6 =	sadd.s32 $0xA00, s7;
	s9 =	ssub.s32 $0x2, s8  }
0xc: {  	s7 =	sadd.s32 $0xF42E00, s7;
	v0 =	vmul.u32 $0x40, v0;
	_ =	strace $0x80000047;
	s11 =	sshrl.u32 s9, $0x1  }
0xd: {  	s8 =	sor.u32 s8, s10;
	s10 =	simm.s32 $0x8600;
	s9 =	ssub.s32 s9, s11  }
0xe: {  	s8 =	smul.u32 $0x6400, s8;
	[tilespmem:$0x1FFF0] =	vst v0;
	s11 =	simm.s32 $0x2;
	s9 =	smax.u32 s9, $0x1  }
.LBB2_1:
0xf: {  	[tilespmem:s10], [sflag:$0x2] =	stream.linear.gather [hbm4b:s1+s5], $0x40, $0x38;
	[tilespmem:$0x8680] =	vst v63  }
0x10: {  	_ =	swait.ge [sflag:s11], $0x40  }
0x11: {  	[sflag:s11] =	ssyncset.done $0x0  }
0x12: {  	[sflag:s11] =	ssyncadd.s32 $0xFFFFFFC0  }
0x13: {  	[tilespmem:s12], [sflag:$0x2] =	stream.linear.gather [hbm4b:s2+s5], $0x40, $0x38;
	[tilespmem:$0x8680] =	vst v63  }
0x14: {  	_ =	swait.ge [sflag:s11], $0x40  }
0x15: {  	[sflag:s11] =	ssyncset.done $0x0  }
0x16: {  	[sflag:s11] =	ssyncadd.s32 $0xFFFFFFC0  }
0x17: {  	v6 =	vld [tilespmem:$0x8600]  }
0x18: {  	v7 =	vld [tilespmem:$0x8610]  }
0x19: {  	v8 =	vld [tilespmem:$0x8620]  }
0x1a: {  	v14 =	vld [tilespmem:$0x8630]  }
0x1b: {  	v15 =	vld [tilespmem:$0x8640]  }
0x1c: {  	v16 =	vld [tilespmem:$0x8650];
	[tilespmem:$0x1FF70] =	vst v6  }
0x1d: {  	v17 =	vld [tilespmem:$0x8660];
	[tilespmem:$0x1FF80] =	vst v7  }
0x1e: {  	v18 =	vld [tilespmem:$0x8670];
	[tilespmem:$0x1FF90] =	vst v8  }
0x1f: {  	[tilespmem:$0x1FFA0] =	vst v14  }
0x20: {  	[tilespmem:$0x1FFB0] =	vst v15  }
0x21: {  	[tilespmem:$0x1FFC0] =	vst v16  }
0x22: {  	[tilespmem:$0x1FFD0] =	vst v17  }
0x23: {  	s24 =	simm.s32 $0x0;
	[tilespmem:$0x1FFE0] =	vst v18  }
.LBB2_2:
0x24: {  	s25 =	sshll.u32 s24, $0x9  }
0x25: {  	s25 =	sadd.s32 s8, s25  }
0x26: {  	s26 =	sshrl.u32 s25, $0x3  }
0x27: {  	s28 =	sadd.s32 s6, s26;
	s26 =	simm.s32 $0x0  }
0x28: {  	[tilespmem:s26], [sflag:$0x2] =	stream.linear.gather [hbm4b:s28+s26], $0x200, $0x38;
	[tilespmem:$0x8680] =	vst v63  }
0x29: {  	_ =	swait.ge [sflag:s11], $0x200  }
0x2a: {  	[sflag:s11] =	ssyncset.done $0x0  }
0x2b: {  	[sflag:s11] =	ssyncadd.s32 $0xFFFFFE00  }
0x2c: {  	[tilespmem:s14], [sflag:$0x1] =	stream.indirect.gather [hbm4b:s7+s13], $0x40, s26, s13, $0xb8;
	[tilespmem:$0x8680] =	vst v63  }
0x2d: {  	_ = 	snop  }
0x2e: {  	[tilespmem:s15], [sflag:$0x1] =	stream.indirect.gather [hbm4b:s7+s13], $0x40, s13, s13, $0xb8;
	[tilespmem:$0x8680] =	vst v63  }
0x2f: {  	_ = 	snop  }
0x30: {  	[tilespmem:s17], [sflag:$0x1] =	stream.indirect.gather [hbm4b:s7+s13], $0x40, s16, s13, $0xb8;
	[tilespmem:$0x8680] =	vst v63  }
0x31: {  	_ = 	snop  }
0x32: {  	[tilespmem:s19], [sflag:$0x1] =	stream.indirect.gather [hbm4b:s7+s13], $0x40, s18, s13, $0xb8;
	[tilespmem:$0x8680] =	vst v63  }
0x33: {  	_ =	swait.ge [sflag:s20], $0x2000  }
0x34: {  	v9 =	vmov s26;
	[sflag:s20] =	ssyncset.done $0x0  }
0x35: {  	v9 =	vshll.u32 v9, $0x6;
	[sflag:s20] =	ssyncadd.s32 $0xFFFFE000  }
0x36: {  	v25 =	vor.u32 v0, v9;
	_ =	swait.ge [sflag:s20], $0x2000  }
0x37: {  	v9 =	vor.u32 $0x3C, v25;
	[sflag:s20] =	ssyncset.done $0x0  }
0x38: {  	v10 =	vor.u32 $0x3D, v25;
	v11 =	vor.u32 $0x38, v25;
	v29 =	vor.u32 $0x3E, v25;
	[sflag:s20] =	ssyncadd.s32 $0xFFFFE000  }
0x39: {  	v35 =	vor.u32 $0x3F, v25;
	v12 =	vor.u32 $0x39, v25;
	v28 =	vor.u32 $0x3A, v25;
	_ =	swait.ge [sflag:s20], $0x2000  }
0x3a: {  	v13 =	vor.u32 $0x34, v25;
	v14 =	vor.u32 $0x35, v25;
	v21 =	vor.u32 $0x7, v25;
	[sflag:s20] =	ssyncset.done $0x0  }
0x3b: {  	v32 =	vor.u32 $0x3B, v25;
	v30 =	vor.u32 $0x36, v25;
	v22 =	vor.u32 $0x3, v25;
	[sflag:s20] =	ssyncadd.s32 $0xFFFFE000  }
0x3c: {  	v36 =	vor.u32 $0x37, v25;
	v15 =	vor.u32 $0x30, v25;
	v24 =	vor.u32 $0xB, v25;
	_ =	swait.ge [sflag:s20], $0x2000  }
0x3d: {  	v16 =	vor.u32 $0x31, v25;
	v33 =	vor.u32 $0x32, v25;
	v26 =	vor.u32 $0x6, v25;
	[sflag:s20] =	ssyncset.done $0x0  }
0x3e: {  	v17 =	vor.u32 $0x2C, v25;
	v37 =	vor.u32 $0x33, v25;
	v27 =	vor.u32 $0x2, v25;
	[sflag:s20] =	ssyncadd.s32 $0xFFFFE000  }
0x3f: {  	v18 =	vor.u32 $0x2D, v25;
	v38 =	vor.u32 $0x2E, v25;
	v34 =	vor.u32 $0xF, v25;
	v31 =	vld.idx.msk [tilespmem:v21+s14+$0x0], $0xffff  }
0x40: {  	v39 =	vor.u32 $0x2F, v25;
	v19 =	vor.u32 $0x28, v25;
	v43 =	vor.u32 $0x13, v25;
	v42 =	vld.idx.msk [tilespmem:v22+s14+$0x0], $0xffff  }
0x41: {  	v20 =	vor.u32 $0x29, v25;
	v40 =	vor.u32 $0x2A, v25;
	v45 =	vor.u32 $0xA, v25;
	v46 =	vld.idx.msk [tilespmem:v24+s14+$0x0], $0xffff  }
0x42: {  	v41 =	vor.u32 $0x2B, v25;
	v44 =	vor.u32 $0x26, v25;
	v59 =	vor.u32 $0x16, v25;
	v49 =	vld.idx.msk [tilespmem:v26+s14+$0x0], $0xffff  }
0x43: {  	v23 =	vor.u32 $0x20, v25;
	v47 =	vor.u32 $0x27, v25;
	v53 =	vor.u32 $0x17, v25;
	v52 =	vld.idx.msk [tilespmem:v27+s14+$0x0], $0xffff  }
0x44: {  	v48 =	vor.u32 $0x22, v25;
	v50 =	vor.u32 $0x23, v25;
	v57 =	vor.u32 $0x12, v25;
	v34 =	vld.idx.msk [tilespmem:v34+s14+$0x0], $0xffff  }
0x45: {  	v51 =	vor.u32 $0xE, v25;
	v56 =	vor.u32 $0x1F, v25;
	v58 =	vor.u32 $0x1B, v25;
	v43 =	vld.idx.msk [tilespmem:v43+s14+$0x0], $0xffff  }
0x46: {  	v1 =	vor.u32 $0x1A, v25;
	v4 =	vor.u32 $0x1E, v25;
	v21 =	vor.u32 $0x24, v25;
	v45 =	vld.idx.msk [tilespmem:v45+s14+$0x0], $0xffff  }
0x47: {  	v22 =	vor.u32 $0x25, v25;
	v24 =	vor.u32 $0x21, v25;
	v26 =	vor.u32 $0x1C, v25;
	v59 =	vld.idx.msk [tilespmem:v59+s14+$0x0], $0xffff  }
0x48: {  	v27 =	vor.u32 $0x1D, v25;
	v53 =	vld.idx.msk [tilespmem:v53+s14+$0x0], $0xffff;
	v54 =	vmul.f32 v42, v42;
	v55 =	vmul.f32 v31, v31  }
0x49: {  	v57 =	vld.idx.msk [tilespmem:v57+s14+$0x0], $0xffff;
	v42 =	vadd.f32 $0.0e+00, v42;
	v6 =	vmul.f32 v46, v46;
	v7 =	vmul.f32 v52, v52  }
0x4a: {  	v50 =	vld.idx.msk [tilespmem:v50+s14+$0x0], $0xffff;
	v60 =	vmul.f32 v49, v49;
	v8 =	vmul.f32 v34, v34;
	v52 =	vadd.f32 $0.0e+00, v52  }
0x4b: {  	v47 =	vld.idx.msk [tilespmem:v47+s14+$0x0], $0xffff;
	v2 =	vmul.f32 v43, v43;
	v3 =	vmul.f32 v45, v45;
	v54 =	vadd.f32 v55, v54  }
0x4c: {  	v62 =	vmul.f32 v59, v59;
	v31 =	vadd.f32 v31, v42;
	v42 =	vld.idx.msk [tilespmem:v51+s14+$0x0], $0xffff;
	v51 =	vadd.f32 v60, v7  }
0x4d: {  	v58 =	vld.idx.msk [tilespmem:v58+s14+$0x0], $0xffff;
	v49 =	vadd.f32 v49, v52;
	v60 =	vor.u32 $0x14, v25;
	v55 =	vor.u32 $0x10, v25  }
0x4e: {  	v7 =	vmul.f32 v57, v57;
	v52 =	vld.idx.msk [tilespmem:v4+s14+$0x0], $0xffff;
	v4 =	vor.u32 $0x5, v25;
	v54 =	vadd.f32 v6, v54  }
0x4f: {  	v56 =	vld.idx.msk [tilespmem:v56+s14+$0x0], $0xffff;
	v31 =	vadd.f32 v46, v31;
	v51 =	vadd.f32 v3, v51;
	v6 =	vmul.f32 v53, v53  }
0x50: {  	v45 =	vadd.f32 v45, v49;
	v46 =	vld.idx.msk [tilespmem:v1+s14+$0x0], $0xffff;
	v1 =	vmul.f32 v50, v50;
	v3 =	vmul.f32 v47, v47  }
0x51: {  	v41 =	vld.idx.msk [tilespmem:v41+s14+$0x0], $0xffff;
	v54 =	vadd.f32 v8, v54;
	v61 =	vadd.f32 v34, v31;
	v31 =	vor.u32 $0x18, v25  }
0x52: {  	v34 =	vor.u32 $0x19, v25;
	v5 =	vmul.f32 v42, v42;
	v42 =	vadd.f32 v42, v45  }
0x53: {  	v48 =	vld.idx.msk [tilespmem:v48+s14+$0x0], $0xffff;
	v8 =	vmul.f32 v58, v58;
	v54 =	vadd.f32 v2, v54;
	v43 =	vadd.f32 v43, v61  }
0x54: {  	v61 =	vmul.f32 v56, v56;
	v2 =	vmul.f32 v52, v52;
	v51 =	vadd.f32 v5, v51  }
0x55: {  	v29 =	vld.idx.msk [tilespmem:v29+s14+$0x0], $0xffff;
	v42 =	vadd.f32 v57, v42;
	v57 =	vor.u32 $0xC, v25;
	v63 =	vmul.f32 v46, v46  }
0x56: {  	v5 =	vmul.f32 v41, v41;
	v49 =	vadd.f32 v6, v54;
	v43 =	vadd.f32 v53, v43  }
0x57: {  	v39 =	vld.idx.msk [tilespmem:v39+s14+$0x0], $0xffff;
	v53 =	vor.u32 $0x15, v25;
	v54 =	vor.u32 $0x8, v25;
	v51 =	vadd.f32 v7, v51  }
0x58: {  	v6 =	vmul.f32 v48, v48;
	v42 =	vadd.f32 v59, v42;
	v45 =	vadd.f32 v8, v49  }
0x59: {  	v35 =	vld.idx.msk [tilespmem:v35+s14+$0x0], $0xffff;
	v7 =	vor.u32 $0x1, v25;
	v43 =	vadd.f32 v58, v43;
	v49 =	vadd.f32 v62, v51  }
0x5a: {  	v44 =	vld.idx.msk [tilespmem:v44+s14+$0x0], $0xffff;
	v59 =	vmul.f32 v29, v29;
	v42 =	vadd.f32 v46, v42;
	v45 =	vadd.f32 v61, v45  }
0x5b: {  	v37 =	vld.idx.msk [tilespmem:v37+s14+$0x0], $0xffff;
	v58 =	vor.u32 $0xD, v25;
	v43 =	vadd.f32 v56, v43;
	v49 =	vadd.f32 v63, v49  }
0x5c: {  	v40 =	vld.idx.msk [tilespmem:v40+s14+$0x0], $0xffff;
	v8 =	vmul.f32 v39, v39;
	v42 =	vadd.f32 v52, v42;
	v45 =	vadd.f32 v1, v45  }
0x5d: {  	v36 =	vld.idx.msk [tilespmem:v36+s14+$0x0], $0xffff;
	v51 =	vor.u32 $0x9, v25;
	v43 =	vadd.f32 v50, v43;
	v49 =	vadd.f32 v2, v49  }
0x5e: {  	v30 =	vld.idx.msk [tilespmem:v30+s14+$0x0], $0xffff;
	v56 =	vor.u32 $0x4, v25;
	v42 =	vadd.f32 v48, v42;
	v45 =	vadd.f32 v3, v45  }
0x5f: {  	v38 =	vld.idx.msk [tilespmem:v38+s14+$0x0], $0xffff;
	v61 =	vmul.f32 v44, v44;
	v43 =	vadd.f32 v47, v43;
	v46 =	vadd.f32 v6, v49  }
0x60: {  	v62 =	vmul.f32 v37, v37;
	v42 =	vadd.f32 v44, v42;
	v6 =	vld.idx.msk [tilespmem:v7+s14+$0x0], $0xffff;
	v45 =	vadd.f32 v5, v45  }
0x61: {  	v33 =	vld.idx.msk [tilespmem:v33+s14+$0x0], $0xffff;
	v63 =	vmul.f32 v40, v40;
	v41 =	vadd.f32 v41, v43;
	v46 =	vadd.f32 v61, v46  }
0x62: {  	v32 =	vld.idx.msk [tilespmem:v32+s14+$0x0], $0xffff;
	v1 =	vmul.f32 v36, v36;
	v40 =	vadd.f32 v40, v42;
	v45 =	vadd.f32 v8, v45  }
0x63: {  	v48 =	vmul.f32 v30, v30;
	v42 =	vld.idx.msk [tilespmem:v56+s14+$0x0], $0xffff;
	v39 =	vadd.f32 v39, v41;
	v2 =	vadd.f32 v63, v46  }
0x64: {  	v3 =	vmul.f32 v38, v38;
	v8 =	vld.idx.msk [tilespmem:v25+s14+$0x0], $0xffff;
	v38 =	vadd.f32 v38, v40;
	v43 =	vadd.f32 v62, v45  }
0x65: {  	v7 =	vmul.f32 v35, v35;
	v37 =	vadd.f32 v37, v39;
	v62 =	vadd.f32 $0.0e+00, v6  }
0x66: {  	v28 =	vld.idx.msk [tilespmem:v28+s14+$0x0], $0xffff;
	v5 =	vmul.f32 v33, v33;
	v44 =	vadd.f32 v3, v2;
	v33 =	vadd.f32 v33, v38  }
0x67: {  	v45 =	vld.idx.msk [tilespmem:v4+s14+$0x0], $0xffff;
	v4 =	vmul.f32 v32, v32;
	v41 =	vadd.f32 v1, v43;
	v36 =	vadd.f32 v36, v37  }
0x68: {  	v49 =	vor.u32 $0x11, v25;
	v44 =	vadd.f32 v5, v44;
	v30 =	vadd.f32 v30, v33  }
0x69: {  	v61 =	vld.idx.msk [tilespmem:v54+s14+$0x0], $0xffff;
	v3 =	vmul.f32 v42, v42;
	v2 =	vadd.f32 $0.0e+00, v8;
	v39 =	vadd.f32 v4, v41  }
0x6a: {  	v56 =	vld.idx.msk [tilespmem:v51+s14+$0x0], $0xffff;
	v40 =	vmul.f32 v8, v8;
	v32 =	vadd.f32 v32, v36;
	v50 =	vadd.f32 v48, v44  }
0x6b: {  	v52 =	vmul.f32 v28, v28;
	v28 =	vadd.f32 v28, v30;
	v5 =	vadd.f32 v42, v2  }
0x6c: {  	v1 =	vld.idx.msk [tilespmem:v58+s14+$0x0], $0xffff;
	v43 =	vmul.f32 v6, v6;
	v40 =	vadd.f32 v3, v40;
	v25 =	vadd.f32 v7, v39  }
0x6d: {  	v63 =	vmul.f32 v45, v45;
	v30 =	vld.idx.msk [tilespmem:v57+s14+$0x0], $0xffff;
	v32 =	vadd.f32 v35, v32;
	v39 =	vadd.f32 v45, v62  }
0x6e: {  	v4 =	vld.idx.msk [tilespmem:v49+s14+$0x0], $0xffff;
	v35 =	vmul.f32 v61, v61;
	v36 =	vadd.f32 v52, v50;
	v28 =	vadd.f32 v29, v28  }
0x6f: {  	v37 =	vmul.f32 v56, v56;
	v29 =	vld.idx.msk [tilespmem:v55+s14+$0x0], $0xffff;
	v6 =	vadd.f32 v63, v43;
	v39 =	vadd.f32 v56, v39  }
0x70: {  	v7 =	vld.idx.msk [tilespmem:v53+s14+$0x0], $0xffff;
	v41 =	vadd.f32 v61, v5;
	v35 =	vadd.f32 v35, v40  }
0x71: {  	v8 =	vld.idx.msk [tilespmem:v60+s14+$0x0], $0xffff;
	v38 =	vmul.f32 v1, v1;
	v37 =	vadd.f32 v37, v6;
	v39 =	vadd.f32 v1, v39  }
0x72: {  	v34 =	vld.idx.msk [tilespmem:v34+s14+$0x0], $0xffff;
	v33 =	vadd.f32 v59, v36;
	v48 =	vadd.f32 v30, v41;
	v30 =	vmul.f32 v30, v30  }
0x73: {  	v31 =	vld.idx.msk [tilespmem:v31+s14+$0x0], $0xffff;
	v36 =	vmul.f32 v4, v4;
	v37 =	vadd.f32 v38, v37;
	v49 =	vadd.f32 v4, v39  }
0x74: {  	v27 =	vld.idx.msk [tilespmem:v27+s14+$0x0], $0xffff;
	v30 =	vadd.f32 v30, v35;
	v50 =	vadd.f32 v29, v48;
	v29 =	vmul.f32 v29, v29  }
0x75: {  	v26 =	vld.idx.msk [tilespmem:v26+s14+$0x0], $0xffff;
	v52 =	vmul.f32 v7, v7;
	v36 =	vadd.f32 v36, v37;
	v51 =	vadd.f32 v7, v49  }
0x76: {  	v24 =	vld.idx.msk [tilespmem:v24+s14+$0x0], $0xffff;
	v53 =	vmul.f32 v8, v8;
	v29 =	vadd.f32 v29, v30;
	v30 =	vadd.f32 v8, v50  }
0x77: {  	v23 =	vld.idx.msk [tilespmem:v23+s14+$0x0], $0xffff;
	v36 =	vadd.f32 v52, v36;
	v37 =	vadd.f32 v34, v51;
	v34 =	vmul.f32 v34, v34  }
0x78: {  	v22 =	vld.idx.msk [tilespmem:v22+s14+$0x0], $0xffff;
	v29 =	vadd.f32 v53, v29;
	v30 =	vadd.f32 v31, v30;
	v31 =	vmul.f32 v31, v31  }
0x79: {  	v21 =	vld.idx.msk [tilespmem:v21+s14+$0x0], $0xffff;
	v34 =	vadd.f32 v34, v36;
	v54 =	vadd.f32 v27, v37;
	v27 =	vmul.f32 v27, v27  }
0x7a: {  	v20 =	vld.idx.msk [tilespmem:v20+s14+$0x0], $0xffff;
	v29 =	vadd.f32 v31, v29;
	v30 =	vadd.f32 v26, v30;
	v26 =	vmul.f32 v26, v26  }
0x7b: {  	v19 =	vld.idx.msk [tilespmem:v19+s14+$0x0], $0xffff;
	v27 =	vadd.f32 v27, v34;
	v31 =	vadd.f32 v24, v54;
	v24 =	vmul.f32 v24, v24  }
0x7c: {  	v18 =	vld.idx.msk [tilespmem:v18+s14+$0x0], $0xffff;
	v26 =	vadd.f32 v26, v29;
	v29 =	vadd.f32 v23, v30;
	v23 =	vmul.f32 v23, v23  }
0x7d: {  	v17 =	vld.idx.msk [tilespmem:v17+s14+$0x0], $0xffff;
	v24 =	vadd.f32 v24, v27;
	v27 =	vadd.f32 v22, v31;
	v22 =	vmul.f32 v22, v22  }
0x7e: {  	v16 =	vld.idx.msk [tilespmem:v16+s14+$0x0], $0xffff;
	v23 =	vadd.f32 v23, v26;
	v26 =	vadd.f32 v21, v29;
	v21 =	vmul.f32 v21, v21  }
0x7f: {  	v15 =	vld.idx.msk [tilespmem:v15+s14+$0x0], $0xffff;
	v22 =	vadd.f32 v22, v24;
	v24 =	vadd.f32 v20, v27;
	v20 =	vmul.f32 v20, v20  }
0x80: {  	v14 =	vld.idx.msk [tilespmem:v14+s14+$0x0], $0xffff;
	v21 =	vadd.f32 v21, v23;
	v23 =	vadd.f32 v19, v26;
	v19 =	vmul.f32 v19, v19  }
0x81: {  	v13 =	vld.idx.msk [tilespmem:v13+s14+$0x0], $0xffff;
	v20 =	vadd.f32 v20, v22;
	v22 =	vadd.f32 v18, v24;
	v18 =	vmul.f32 v18, v18  }
0x82: {  	v12 =	vld.idx.msk [tilespmem:v12+s14+$0x0], $0xffff;
	v19 =	vadd.f32 v19, v21;
	v21 =	vadd.f32 v17, v23;
	v17 =	vmul.f32 v17, v17  }
0x83: {  	v11 =	vld.idx.msk [tilespmem:v11+s14+$0x0], $0xffff;
	v18 =	vadd.f32 v18, v20;
	v20 =	vadd.f32 v16, v22;
	v16 =	vmul.f32 v16, v16  }
0x84: {  	v10 =	vld.idx.msk [tilespmem:v10+s14+$0x0], $0xffff;
	v17 =	vadd.f32 v17, v19;
	v19 =	vadd.f32 v15, v21;
	v15 =	vmul.f32 v15, v15  }
0x85: {  	v9 =	vld.idx.msk [tilespmem:v9+s14+$0x0], $0xffff;
	v16 =	vadd.f32 v16, v18;
	v18 =	vadd.f32 v14, v20;
	v14 =	vmul.f32 v14, v14  }
0x86: {  	v15 =	vadd.f32 v15, v17;
	v17 =	vadd.f32 v13, v19;
	v13 =	vmul.f32 v13, v13  }
0x87: {  	v14 =	vadd.f32 v14, v16;
	v16 =	vadd.f32 v12, v18;
	v12 =	vmul.f32 v12, v12  }
0x88: {  	v13 =	vadd.f32 v13, v15;
	v15 =	vadd.f32 v11, v17;
	v11 =	vmul.f32 v11, v11  }
0x89: {  	v12 =	vadd.f32 v12, v14;
	v14 =	vadd.f32 v10, v16;
	v10 =	vmul.f32 v10, v10  }
0x8a: {  	v11 =	vadd.f32 v11, v13;
	v13 =	vadd.f32 v9, v15;
	v9 =	vmul.f32 v9, v9  }
0x8b: {  	v10 =	vadd.f32 v10, v12;
	v12 =	vadd.f32 v32, v28  }
0x8c: {  	v9 =	vadd.f32 v9, v11;
	v55 =	vadd.f32 v14, v13  }
0x8d: {  	v13 =	vadd.f32 v25, v33  }
0x8e: {  	v11 =	vadd.f32 v12, v55;
	v9 =	vadd.f32 v10, v9;
	_ =	sdelay $0x1  }
0x8f: {  	v9 =	vadd.f32 v13, v9;
	v18 =	vmul.f32 $1.562500000e-02, v11;
	_ =	sdelay $0x1  }
0x90: {  	v9 =	vmul.f32 $1.562500000e-02, v9;
	v56 =	vmul.f32 v18, v18;
	_ =	sdelay $0x1  }
0x91: {  	v9 =	vsub.f32 v9, v56;
	_ =	sdelay $0x1  }
0x92: {  	v9 =	vadd.f32 $9.999999970e-07, v9;
	_ =	sdelay $0x1  }
0x93: {  	v57 =	vshra.s32 v9, $0x1;
	v12 =	vmul.f32 $5.000000000e-01, v9  }
0x94: {  	v58 =	vsub.s32 $0x5F3759DF, v57  }
0x95: {  	v10 =	vmul.f32 v58, v12;
	_ =	sdelay $0x1  }
0x96: {  	v10 =	vmul.f32 v58, v10;
	_ =	sdelay $0x1  }
0x97: {  	v10 =	vsub.f32 $1.500000000e+00, v10;
	_ =	sdelay $0x1  }
0x98: {  	v9 =	vmul.f32 v58, v10;
	_ =	sdelay $0x1  }
0x99: {  	v10 =	vmul.f32 v9, v12;
	_ =	sdelay $0x1  }
0x9a: {  	v10 =	vmul.f32 v10, v9;
	_ =	sdelay $0x1  }
0x9b: {  	v10 =	vsub.f32 $1.500000000e+00, v10;
	_ =	sdelay $0x1  }
0x9c: {  	v19 =	vmul.f32 v10, v9  }
0x9d: {  	s28 =	simm.s32 $0x10  }
0x9e: {  	v59 =	vmov s28;
	v14 =	vmul.f32 v19, v12  }
0x9f: {  	v11 =	vshll.u32 v59, $0x6  }
0xa0: {  	v25 =	vor.u32 v0, v11;
	v15 =	vmul.f32 v14, v19  }
0xa1: {  	v1 =	vor.u32 $0x3C, v25;
	v60 =	vor.u32 $0x3D, v25  }
0xa2: {  	v61 =	vor.u32 $0x38, v25;
	v21 =	vor.u32 $0x7, v25;
	v20 =	vsub.f32 $1.500000000e+00, v15  }
0xa3: {  	v30 =	vor.u32 $0x3E, v25;
	v33 =	vor.u32 $0x3F, v25;
	v22 =	vor.u32 $0x3, v25  }
0xa4: {  	s28 =	simm.s32 $0x8200;
	v28 =	vor.u32 $0x3A, v25;
	v24 =	vor.u32 $0xB, v25;
	v19 =	vmul.f32 v20, v19  }
0xa5: {  	s29 =	simm.s32 $0x8400;
	v13 =	vor.u32 $0x34, v25;
	v42 =	vor.u32 $0x3B, v25;
	[tilespmem:s28+$0x0] =	vst v18;
	v26 =	vor.u32 $0x6, v25  }
0xa6: {  	v31 =	vor.u32 $0x36, v25;
	v44 =	vor.u32 $0x37, v25;
	v27 =	vor.u32 $0x2, v25;
	[tilespmem:s29+$0x0] =	vst v19  }
0xa7: {  	v16 =	vor.u32 $0x31, v25;
	v34 =	vor.u32 $0x32, v25;
	v62 =	vor.u32 $0xF, v25;
	v29 =	vld.idx.msk [tilespmem:v21+s14+$0x0], $0xffff  }
0xa8: {  	v17 =	vor.u32 $0x2C, v25;
	v45 =	vor.u32 $0x33, v25;
	v0 =	vor.u32 $0x13, v25;
	v63 =	vld.idx.msk [tilespmem:v22+s14+$0x0], $0xffff  }
0xa9: {  	v18 =	vor.u32 $0x2D, v25;
	v54 =	vor.u32 $0x2E, v25;
	[tilespmem:$0x1FF40] =	vst v1;
	v1 =	vor.u32 $0xA, v25;
	v38 =	vld.idx.msk [tilespmem:v24+s14+$0x0], $0xffff  }
0xaa: {  	v41 =	vor.u32 $0x2F, v25;
	v46 =	vor.u32 $0x2A, v25;
	v7 =	vor.u32 $0x12, v25;
	v48 =	vld.idx.msk [tilespmem:v26+s14+$0x0], $0xffff  }
0xab: {  	v40 =	vor.u32 $0x2B, v25;
	v47 =	vor.u32 $0x26, v25;
	v10 =	vor.u32 $0x16, v25;
	v3 =	vld.idx.msk [tilespmem:v27+s14+$0x0], $0xffff  }
0xac: {  	v23 =	vor.u32 $0x20, v25;
	v39 =	vor.u32 $0x27, v25;
	v43 =	vor.u32 $0x22, v25;
	v32 =	vld.idx.msk [tilespmem:v62+s14+$0x0], $0xffff  }
0xad: {  	v49 =	vor.u32 $0x23, v25;
	v2 =	vor.u32 $0xE, v25;
	v4 =	vor.u32 $0x17, v25;
	v36 =	vld.idx.msk [tilespmem:v0+s14+$0x0], $0xffff  }
0xae: {  	v56 =	vor.u32 $0x1F, v25;
	v9 =	vor.u32 $0x1B, v25;
	v12 =	vor.u32 $0x39, v25;
	v37 =	vld.idx.msk [tilespmem:v1+s14+$0x0], $0xffff  }
0xaf: {  	v14 =	vor.u32 $0x35, v25;
	v15 =	vor.u32 $0x30, v25;
	v20 =	vor.u32 $0x29, v25;
	v57 =	vld.idx.msk [tilespmem:v7+s14+$0x0], $0xffff  }
0xb0: {  	v19 =	vor.u32 $0x28, v25;
	v21 =	vor.u32 $0x24, v25;
	v22 =	vor.u32 $0x25, v25;
	v59 =	vld.idx.msk [tilespmem:v10+s14+$0x0], $0xffff  }
0xb1: {  	v24 =	vor.u32 $0x21, v25;
	v5 =	vmul.f32 v63, v63;
	v6 =	vmul.f32 v29, v29  }
0xb2: {  	v26 =	vor.u32 $0x1C, v25;
	v8 =	vmul.f32 v38, v38;
	v11 =	vmul.f32 v3, v3  }
0xb3: {  	v58 =	vld.idx.msk [tilespmem:v9+s14+$0x0], $0xffff;
	v35 =	vadd.f32 $0.0e+00, v63;
	v0 =	vmul.f32 v48, v48;
	v1 =	vmul.f32 v32, v32  }
0xb4: {  	v52 =	vld.idx.msk [tilespmem:v4+s14+$0x0], $0xffff;
	v51 =	vadd.f32 $0.0e+00, v3;
	v3 =	vmul.f32 v36, v36;
	v4 =	vmul.f32 v37, v37  }
0xb5: {  	v27 =	vor.u32 $0x1D, v25;
	v56 =	vld.idx.msk [tilespmem:v56+s14+$0x0], $0xffff;
	v10 =	vmul.f32 v57, v57;
	v63 =	vmul.f32 v59, v59  }
0xb6: {  	v53 =	vadd.f32 v6, v5;
	v29 =	vadd.f32 v29, v35;
	v35 =	vld.idx.msk [tilespmem:v2+s14+$0x0], $0xffff;
	v2 =	vor.u32 $0x1A, v25  }
0xb7: {  	[tilespmem:$0x1FF50] =	vst v60;
	v60 =	vld.idx.msk [tilespmem:v49+s14+$0x0], $0xffff;
	v50 =	vadd.f32 v0, v11;
	v48 =	vadd.f32 v48, v51;
	v5 =	vor.u32 $0x1E, v25  }
0xb8: {  	v11 =	vmul.f32 v58, v58;
	v0 =	vld.idx.msk [tilespmem:v39+s14+$0x0], $0xffff;
	v39 =	vor.u32 $0xD, v25;
	v53 =	vadd.f32 v8, v53  }
0xb9: {  	v51 =	vld.idx.msk [tilespmem:v40+s14+$0x0], $0xffff;
	v40 =	vor.u32 $0x8, v25;
	v29 =	vadd.f32 v38, v29;
	v50 =	vadd.f32 v4, v50  }
0xba: {  	v48 =	vadd.f32 v37, v48;
	v8 =	vmul.f32 v52, v52;
	v37 =	vld.idx.msk [tilespmem:v33+s14+$0x0], $0xffff;
	v33 =	vor.u32 $0x14, v25  }
0xbb: {  	v38 =	vor.u32 $0xC, v25;
	v53 =	vadd.f32 v1, v53;
	v6 =	vadd.f32 v32, v29  }
0xbc: {  	v29 =	vor.u32 $0x18, v25;
	v32 =	vor.u32 $0x19, v25;
	v7 =	vmul.f32 v35, v35  }
0xbd: {  	v1 =	vmul.f32 v56, v56;
	v55 =	vld.idx.msk [tilespmem:v2+s14+$0x0], $0xffff;
	v48 =	vadd.f32 v35, v48;
	v53 =	vadd.f32 v3, v53  }
0xbe: {  	[tilespmem:$0x1FF60] =	vst v61;
	v35 =	vor.u32 $0x15, v25;
	v62 =	vld.idx.msk [tilespmem:v5+s14+$0x0], $0xffff;
	v61 =	vadd.f32 v36, v6;
	v50 =	vadd.f32 v7, v50  }
0xbf: {  	v5 =	vmul.f32 v60, v60;
	v48 =	vadd.f32 v57, v48;
	v9 =	vadd.f32 v8, v53  }
0xc0: {  	v36 =	vor.u32 $0x10, v25;
	v52 =	vadd.f32 v52, v61;
	v50 =	vadd.f32 v10, v50  }
0xc1: {  	v44 =	vld.idx.msk [tilespmem:v44+s14+$0x0], $0xffff;
	v48 =	vadd.f32 v59, v48;
	v10 =	vmul.f32 v0, v0;
	v49 =	vadd.f32 v11, v9  }
0xc2: {  	v2 =	vadd.f32 v58, v52;
	v52 =	vld.idx.msk [tilespmem:v43+s14+$0x0], $0xffff;
	v4 =	vmul.f32 v55, v55;
	v43 =	vor.u32 $0x4, v25  }
0xc3: {  	v8 =	vmul.f32 v62, v62;
	v3 =	vadd.f32 v63, v50;
	v50 =	vld.idx.msk [tilespmem:v41+s14+$0x0], $0xffff;
	v49 =	vadd.f32 v1, v49  }
0xc4: {  	v42 =	vld.idx.msk [tilespmem:v42+s14+$0x0], $0xffff;
	v41 =	vor.u32 $0x9, v25;
	v9 =	vadd.f32 v55, v48;
	v56 =	vadd.f32 v56, v2  }
0xc5: {  	v6 =	vadd.f32 v4, v3;
	v7 =	vadd.f32 v5, v49;
	v49 =	vld.idx.msk [tilespmem:v46+s14+$0x0], $0xffff;
	v46 =	vor.u32 $0x1, v25  }
0xc6: {  	v53 =	vld.idx.msk [tilespmem:v47+s14+$0x0], $0xffff;
	v48 =	vor.u32 $0x5, v25;
	v55 =	vmul.f32 v51, v51;
	v11 =	vadd.f32 v60, v56  }
0xc7: {  	v47 =	vld.idx.msk [tilespmem:v45+s14+$0x0], $0xffff;
	v58 =	vadd.f32 v62, v9;
	v56 =	vadd.f32 v8, v6;
	v60 =	vmul.f32 v52, v52  }
0xc8: {  	s30 =	simm.s32 $0x20;
	v45 =	vld.idx.msk [tilespmem:v54+s14+$0x0], $0xffff;
	v57 =	vadd.f32 v10, v7;
	v59 =	vadd.f32 v0, v11;
	v54 =	vmul.f32 v50, v50  }
.LBB2_3:
0xc9: {  	_ = 	snop  }
0xca: {  	v46 =	vld.idx.msk [tilespmem:v46+s14+$0x0], $0xffff;
	v51 =	vadd.f32 v51, v59  }
0xcb: {  	v48 =	vld.idx.msk [tilespmem:v48+s14+$0x0], $0xffff;
	v56 =	vadd.f32 v60, v56;
	v55 =	vadd.f32 v55, v57  }
0xcc: {  	v61 =	vld.idx.msk [tilespmem:v25+s14+$0x0], $0xffff;
	v2 =	vor.u32 $0x11, v25;
	v52 =	vadd.f32 v52, v58;
	v50 =	vadd.f32 v50, v51  }
0xcd: {  	v34 =	vld.idx.msk [tilespmem:v34+s14+$0x0], $0xffff;
	v54 =	vadd.f32 v54, v55;
	v7 =	vmul.f32 v53, v53;
	v8 =	vmul.f32 v47, v47  }
0xce: {  	v43 =	vld.idx.msk [tilespmem:v43+s14+$0x0], $0xffff;
	v9 =	vmul.f32 v49, v49;
	v52 =	vadd.f32 v53, v52;
	v59 =	vadd.f32 v47, v50  }
0xcf: {  	v58 =	vld.idx.msk [tilespmem:v30+s14+$0x0], $0xffff;
	v10 =	vmul.f32 v44, v44;
	v6 =	vadd.f32 $0.0e+00, v46;
	v30 =	vadd.f32 v7, v56  }
0xd0: {  	v31 =	vld.idx.msk [tilespmem:v31+s14+$0x0], $0xffff;
	v46 =	vmul.f32 v46, v46;
	v54 =	vadd.f32 v8, v54;
	v57 =	vadd.f32 v49, v52  }
0xd1: {  	v40 =	vld.idx.msk [tilespmem:v40+s14+$0x0], $0xffff;
	v7 =	vmul.f32 v48, v48;
	v8 =	vadd.f32 $0.0e+00, v61;
	v63 =	vadd.f32 v44, v59  }
0xd2: {  	v11 =	vld.idx.msk [tilespmem:v28+s14+$0x0], $0xffff;
	v28 =	vadd.f32 v9, v30;
	v30 =	vmul.f32 v45, v45;
	v51 =	vadd.f32 v10, v54  }
0xd3: {  	v38 =	vld.idx.msk [tilespmem:v38+s14+$0x0], $0xffff;
	v62 =	vadd.f32 v45, v57;
	v9 =	vmul.f32 v43, v43;
	v43 =	vadd.f32 v43, v8  }
0xd4: {  	v3 =	vadd.f32 v42, v63;
	v28 =	vadd.f32 v30, v28;
	v30 =	vmul.f32 v34, v34  }
0xd5: {  	v41 =	vld.idx.msk [tilespmem:v41+s14+$0x0], $0xffff;
	v60 =	vmul.f32 v42, v42;
	v42 =	vadd.f32 v7, v46;
	v34 =	vadd.f32 v34, v62  }
0xd6: {  	v36 =	vld.idx.msk [tilespmem:v36+s14+$0x0], $0xffff;
	v43 =	vadd.f32 v40, v43;
	v28 =	vadd.f32 v30, v28;
	v30 =	vmul.f32 v31, v31  }
0xd7: {  	v39 =	vld.idx.msk [tilespmem:v39+s14+$0x0], $0xffff;
	v0 =	vmul.f32 v37, v37;
	v1 =	vadd.f32 v60, v51;
	v31 =	vadd.f32 v31, v34  }
0xd8: {  	v35 =	vld.idx.msk [tilespmem:v35+s14+$0x0], $0xffff;
	v4 =	vmul.f32 v11, v11;
	v46 =	vadd.f32 v38, v43;
	v30 =	vadd.f32 v30, v28  }
0xd9: {  	v33 =	vld.idx.msk [tilespmem:v33+s14+$0x0], $0xffff;
	v5 =	vmul.f32 v58, v58;
	v28 =	vadd.f32 v37, v3;
	v37 =	vadd.f32 v48, v6  }
0xda: {  	v10 =	vld.idx.msk [tilespmem:v2+s14+$0x0], $0xffff;
	v25 =	vadd.f32 v0, v1;
	v31 =	vadd.f32 v11, v31;
	v11 =	vmul.f32 v61, v61  }
0xdb: {  	v32 =	vld.idx.msk [tilespmem:v32+s14+$0x0], $0xffff;
	v48 =	vadd.f32 v36, v46;
	v37 =	vadd.f32 v41, v37;
	v41 =	vmul.f32 v41, v41  }
0xdc: {  	v29 =	vld.idx.msk [tilespmem:v29+s14+$0x0], $0xffff;
	v40 =	vmul.f32 v40, v40;
	v30 =	vadd.f32 v4, v30;
	v34 =	vadd.f32 v9, v11  }
0xdd: {  	v27 =	vld.idx.msk [tilespmem:v27+s14+$0x0], $0xffff;
	v41 =	vadd.f32 v41, v42;
	v37 =	vadd.f32 v39, v37;
	v39 =	vmul.f32 v39, v39  }
0xde: {  	v26 =	vld.idx.msk [tilespmem:v26+s14+$0x0], $0xffff;
	v38 =	vmul.f32 v38, v38;
	v31 =	vadd.f32 v58, v31;
	v34 =	vadd.f32 v40, v34  }
0xdf: {  	v24 =	vld.idx.msk [tilespmem:v24+s14+$0x0], $0xffff;
	v47 =	vmul.f32 v10, v10;
	v39 =	vadd.f32 v39, v41;
	v37 =	vadd.f32 v10, v37  }
0xe0: {  	v23 =	vld.idx.msk [tilespmem:v23+s14+$0x0], $0xffff;
	v36 =	vmul.f32 v36, v36;
	v49 =	vadd.f32 v33, v48;
	v34 =	vadd.f32 v38, v34  }
0xe1: {  	v22 =	vld.idx.msk [tilespmem:v22+s14+$0x0], $0xffff;
	v39 =	vadd.f32 v47, v39;
	v37 =	vadd.f32 v35, v37;
	v35 =	vmul.f32 v35, v35  }
0xe2: {  	v21 =	vld.idx.msk [tilespmem:v21+s14+$0x0], $0xffff;
	v33 =	vmul.f32 v33, v33;
	v30 =	vadd.f32 v5, v30;
	v34 =	vadd.f32 v36, v34  }
0xe3: {  	v20 =	vld.idx.msk [tilespmem:v20+s14+$0x0], $0xffff;
	v35 =	vadd.f32 v35, v39;
	v37 =	vadd.f32 v32, v37;
	v32 =	vmul.f32 v32, v32  }
0xe4: {  	v19 =	vld.idx.msk [tilespmem:v19+s14+$0x0], $0xffff;
	v50 =	vadd.f32 v29, v49;
	v29 =	vmul.f32 v29, v29;
	v33 =	vadd.f32 v33, v34  }
0xe5: {  	v18 =	vld.idx.msk [tilespmem:v18+s14+$0x0], $0xffff;
	v32 =	vadd.f32 v32, v35;
	v51 =	vadd.f32 v27, v37;
	v27 =	vmul.f32 v27, v27  }
0xe6: {  	v17 =	vld.idx.msk [tilespmem:v17+s14+$0x0], $0xffff;
	v52 =	vadd.f32 v26, v50;
	v26 =	vmul.f32 v26, v26;
	v29 =	vadd.f32 v29, v33  }
0xe7: {  	v0 =	vld [tilespmem:$0x1FF60];
	v27 =	vadd.f32 v27, v32;
	v53 =	vadd.f32 v24, v51;
	v24 =	vmul.f32 v24, v24  }
0xe8: {  	v54 =	vld [tilespmem:$0x1FF50];
	v26 =	vadd.f32 v26, v29;
	v29 =	vadd.f32 v23, v52;
	v23 =	vmul.f32 v23, v23  }
0xe9: {  	v55 =	vld [tilespmem:$0x1FF40];
	v24 =	vadd.f32 v24, v27;
	v27 =	vadd.f32 v22, v53;
	v22 =	vmul.f32 v22, v22  }
0xea: {  	v16 =	vld.idx.msk [tilespmem:v16+s14+$0x0], $0xffff;
	v23 =	vadd.f32 v23, v26;
	v26 =	vadd.f32 v21, v29;
	v21 =	vmul.f32 v21, v21  }
0xeb: {  	v15 =	vld.idx.msk [tilespmem:v15+s14+$0x0], $0xffff;
	v22 =	vadd.f32 v22, v24;
	v24 =	vadd.f32 v20, v27;
	v20 =	vmul.f32 v20, v20  }
0xec: {  	v14 =	vld.idx.msk [tilespmem:v14+s14+$0x0], $0xffff;
	v21 =	vadd.f32 v21, v23;
	v23 =	vadd.f32 v19, v26;
	v19 =	vmul.f32 v19, v19  }
0xed: {  	v13 =	vld.idx.msk [tilespmem:v13+s14+$0x0], $0xffff;
	v20 =	vadd.f32 v20, v22;
	v22 =	vadd.f32 v18, v24;
	v18 =	vmul.f32 v18, v18  }
0xee: {  	v12 =	vld.idx.msk [tilespmem:v12+s14+$0x0], $0xffff;
	v19 =	vadd.f32 v19, v21;
	v21 =	vadd.f32 v17, v23;
	v17 =	vmul.f32 v17, v17  }
0xef: {  	v11 =	vld.idx.msk [tilespmem:v0+s14+$0x0], $0xffff;
	v18 =	vadd.f32 v18, v20;
	v20 =	vadd.f32 v16, v22;
	v16 =	vmul.f32 v16, v16  }
0xf0: {  	v10 =	vld.idx.msk [tilespmem:v54+s14+$0x0], $0xffff;
	v17 =	vadd.f32 v17, v19;
	v19 =	vadd.f32 v15, v21;
	v15 =	vmul.f32 v15, v15  }
0xf1: {  	v9 =	vld.idx.msk [tilespmem:v55+s14+$0x0], $0xffff;
	v16 =	vadd.f32 v16, v18;
	v18 =	vadd.f32 v14, v20;
	v14 =	vmul.f32 v14, v14  }
0xf2: {  	v15 =	vadd.f32 v15, v17;
	v17 =	vadd.f32 v13, v19;
	v13 =	vmul.f32 v13, v13  }
0xf3: {  	v14 =	vadd.f32 v14, v16;
	v16 =	vadd.f32 v12, v18;
	v12 =	vmul.f32 v12, v12  }
0xf4: {  	v13 =	vadd.f32 v13, v15;
	v15 =	vadd.f32 v11, v17;
	v11 =	vmul.f32 v11, v11  }
0xf5: {  	v12 =	vadd.f32 v12, v14;
	v14 =	vadd.f32 v10, v16;
	v10 =	vmul.f32 v10, v10  }
0xf6: {  	v11 =	vadd.f32 v11, v13;
	v13 =	vadd.f32 v9, v15;
	v9 =	vmul.f32 v9, v9  }
0xf7: {  	v10 =	vadd.f32 v10, v12;
	v12 =	vadd.f32 v28, v31  }
0xf8: {  	v9 =	vadd.f32 v9, v11;
	v56 =	vadd.f32 v14, v13  }
0xf9: {  	v13 =	vadd.f32 v25, v30  }
0xfa: {  	v11 =	vadd.f32 v12, v56;
	v9 =	vadd.f32 v10, v9;
	_ =	sdelay $0x1  }
0xfb: {  	v9 =	vadd.f32 v13, v9;
	v57 =	vmul.f32 $1.562500000e-02, v11;
	_ =	sdelay $0x1  }
0xfc: {  	v9 =	vmul.f32 $1.562500000e-02, v9;
	v11 =	vmul.f32 v57, v57;
	_ =	sdelay $0x1  }
0xfd: {  	v9 =	vsub.f32 v9, v11;
	_ =	sdelay $0x1  }
0xfe: {  	v9 =	vadd.f32 $9.999999970e-07, v9;
	_ =	sdelay $0x1  }
0xff: {  	v58 =	vshra.s32 v9, $0x1;
	v15 =	vmul.f32 $5.000000000e-01, v9  }
0x100: {  	v59 =	vsub.s32 $0x5F3759DF, v58  }
0x101: {  	v10 =	vmul.f32 v59, v15;
	_ =	sdelay $0x1  }
0x102: {  	v10 =	vmul.f32 v59, v10;
	_ =	sdelay $0x1  }
0x103: {  	v10 =	vsub.f32 $1.500000000e+00, v10;
	_ =	sdelay $0x1  }
0x104: {  	v13 =	vmul.f32 v59, v10  }
0x105: {  	v62 =	vld [tilespmem:$0x1FFF0]  }
0x106: {  	v9 =	vmul.f32 v13, v15;
	_ =	sdelay $0x1  }
0x107: {  	v60 =	vmov s30;
	v61 =	vmul.f32 v9, v13  }
0x108: {  	v10 =	vshll.u32 v60, $0x6  }
0x109: {  	v25 =	vor.u32 v62, v10;
	v14 =	vsub.f32 $1.500000000e+00, v61  }
0x10a: {  	v0 =	vor.u32 $0x3C, v25;
	v63 =	vor.u32 $0x3D, v25  }
0x10b: {  	v4 =	vor.u32 $0x38, v25;
	v30 =	vor.u32 $0x3E, v25;
	v22 =	vmul.f32 v14, v13  }
0x10c: {  	v26 =	vor.u32 $0x3F, v25;
	v12 =	vor.u32 $0x39, v25;
	v28 =	vor.u32 $0x3A, v25  }
0x10d: {  	v42 =	vor.u32 $0x3B, v25;
	v31 =	vor.u32 $0x36, v25;
	v18 =	vmul.f32 v22, v15  }
0x10e: {  	v44 =	vor.u32 $0x37, v25;
	v16 =	vor.u32 $0x31, v25;
	v34 =	vor.u32 $0x32, v25  }
0x10f: {  	v17 =	vor.u32 $0x2C, v25;
	v47 =	vor.u32 $0x33, v25;
	v21 =	vmul.f32 v18, v22  }
0x110: {  	v45 =	vor.u32 $0x2E, v25;
	v50 =	vor.u32 $0x2F, v25;
	v19 =	vor.u32 $0x28, v25  }
0x111: {  	v20 =	vor.u32 $0x29, v25;
	v27 =	vor.u32 $0x7, v25;
	v23 =	vsub.f32 $1.500000000e+00, v21  }
0x112: {  	v49 =	vor.u32 $0x2A, v25;
	v51 =	vor.u32 $0x2B, v25;
	v29 =	vor.u32 $0x3, v25  }
0x113: {  	s28 =	sadd.s32 $0x10, s28;
	v5 =	vor.u32 $0xF, v25;
	v53 =	vor.u32 $0x26, v25;
	v24 =	vmul.f32 v23, v22  }
0x114: {  	s29 =	sadd.s32 $0x10, s29;
	[tilespmem:s28+$0x0] =	vst v57;
	v6 =	vor.u32 $0xB, v25;
	v52 =	vor.u32 $0x27, v25;
	v7 =	vor.u32 $0x6, v25  }
0x115: {  	v54 =	vor.u32 $0x22, v25;
	v8 =	vor.u32 $0x2, v25;
	v56 =	vor.u32 $0x23, v25;
	[tilespmem:s29+$0x0] =	vst v24  }
0x116: {  	v10 =	vor.u32 $0x13, v25;
	v57 =	vor.u32 $0x1E, v25;
	v11 =	vor.u32 $0xA, v25;
	v37 =	vld.idx.msk [tilespmem:v26+s14+$0x0], $0xffff  }
0x117: {  	v59 =	vor.u32 $0x1F, v25;
	v48 =	vor.u32 $0x17, v25;
	v32 =	vor.u32 $0x19, v25;
	v55 =	vld.idx.msk [tilespmem:v27+s14+$0x0], $0xffff  }
0x118: {  	v33 =	vor.u32 $0x14, v25;
	v36 =	vor.u32 $0x10, v25;
	v35 =	vor.u32 $0x15, v25;
	v9 =	vld.idx.msk [tilespmem:v29+s14+$0x0], $0xffff  }
0x119: {  	v2 =	vor.u32 $0x16, v25;
	v38 =	vor.u32 $0xC, v25;
	v39 =	vor.u32 $0xD, v25;
	v58 =	vld.idx.msk [tilespmem:v5+s14+$0x0], $0xffff  }
0x11a: {  	v3 =	vor.u32 $0x12, v25;
	v40 =	vor.u32 $0x8, v25;
	[tilespmem:$0x1FF50] =	vst v63;
	v63 =	vor.u32 $0xE, v25;
	v60 =	vld.idx.msk [tilespmem:v6+s14+$0x0], $0xffff  }
0x11b: {  	v43 =	vor.u32 $0x4, v25;
	v41 =	vor.u32 $0x9, v25;
	v46 =	vor.u32 $0x1, v25;
	v62 =	vld.idx.msk [tilespmem:v7+s14+$0x0], $0xffff  }
0x11c: {  	[tilespmem:$0x1FF40] =	vst v0;
	v0 =	vor.u32 $0x1B, v25;
	v61 =	vor.u32 $0x1A, v25;
	v13 =	vor.u32 $0x34, v25;
	v1 =	vld.idx.msk [tilespmem:v8+s14+$0x0], $0xffff  }
0x11d: {  	[tilespmem:$0x1FF60] =	vst v4;
	v14 =	vor.u32 $0x35, v25;
	v15 =	vor.u32 $0x30, v25;
	v18 =	vor.u32 $0x2D, v25;
	v4 =	vld.idx.msk [tilespmem:v10+s14+$0x0], $0xffff  }
0x11e: {  	v21 =	vor.u32 $0x24, v25;
	v22 =	vor.u32 $0x25, v25;
	v23 =	vor.u32 $0x20, v25;
	v7 =	vld.idx.msk [tilespmem:v11+s14+$0x0], $0xffff  }
0x11f: {  	v24 =	vor.u32 $0x21, v25;
	v26 =	vor.u32 $0x1C, v25;
	v27 =	vor.u32 $0x1D, v25;
	v63 =	vld.idx.msk [tilespmem:v63+s14+$0x0], $0xffff  }
0x120: {  	v3 =	vld.idx.msk [tilespmem:v3+s14+$0x0], $0xffff;
	v5 =	vmul.f32 v9, v9;
	v6 =	vmul.f32 v55, v55;
	v8 =	vadd.f32 $0.0e+00, v9  }
0x121: {  	v29 =	vor.u32 $0x18, v25;
	v0 =	vld.idx.msk [tilespmem:v0+s14+$0x0], $0xffff;
	v10 =	vmul.f32 v1, v1;
	v11 =	vmul.f32 v62, v62  }
0x122: {  	v59 =	vld.idx.msk [tilespmem:v59+s14+$0x0], $0xffff;
	v5 =	vadd.f32 v6, v5;
	v6 =	vmul.f32 v60, v60;
	v8 =	vadd.f32 v55, v8  }
0x123: {  	v9 =	vld.idx.msk [tilespmem:v48+s14+$0x0], $0xffff;
	v48 =	vor.u32 $0x5, v25;
	v1 =	vadd.f32 $0.0e+00, v1;
	v10 =	vadd.f32 v11, v10  }
0x124: {  	v50 =	vld.idx.msk [tilespmem:v50+s14+$0x0], $0xffff;
	v55 =	vmul.f32 v58, v58;
	v5 =	vadd.f32 v6, v5;
	v6 =	vadd.f32 v60, v8  }
0x125: {  	v2 =	vld.idx.msk [tilespmem:v2+s14+$0x0], $0xffff;
	v1 =	vadd.f32 v62, v1;
	v62 =	vmul.f32 v3, v3;
	v60 =	vmul.f32 v7, v7  }
0x126: {  	v56 =	vld.idx.msk [tilespmem:v56+s14+$0x0], $0xffff;
	v8 =	vmul.f32 v4, v4;
	v5 =	vadd.f32 v55, v5;
	v6 =	vadd.f32 v58, v6  }
0x127: {  	v1 =	vadd.f32 v7, v1;
	v7 =	vld.idx.msk [tilespmem:v52+s14+$0x0], $0xffff;
	v10 =	vadd.f32 v60, v10;
	v60 =	vmul.f32 v63, v63  }
0x128: {  	v55 =	vmul.f32 v9, v9;
	v5 =	vadd.f32 v8, v5;
	v8 =	vld.idx.msk [tilespmem:v61+s14+$0x0], $0xffff;
	v4 =	vadd.f32 v4, v6  }
0x129: {  	v52 =	vld.idx.msk [tilespmem:v54+s14+$0x0], $0xffff;
	v54 =	vmul.f32 v50, v50;
	v1 =	vadd.f32 v63, v1;
	v10 =	vadd.f32 v60, v10  }
0x12a: {  	v58 =	vld.idx.msk [tilespmem:v57+s14+$0x0], $0xffff;
	v6 =	vmul.f32 v0, v0;
	v5 =	vadd.f32 v55, v5;
	v4 =	vadd.f32 v9, v4  }
0x12b: {  	v61 =	vmul.f32 v2, v2;
	v1 =	vadd.f32 v3, v1;
	v10 =	vadd.f32 v62, v10  }
0x12c: {  	v51 =	vld.idx.msk [tilespmem:v51+s14+$0x0], $0xffff;
	v60 =	vmul.f32 v59, v59;
	v5 =	vadd.f32 v6, v5;
	v0 =	vadd.f32 v0, v4  }
0x12d: {  	p0 =	sne.s32 s30, $0x1F0;
	v53 =	vld.idx.msk [tilespmem:v53+s14+$0x0], $0xffff;
	v1 =	vadd.f32 v2, v1;
	v63 =	vadd.f32 v61, v10;
	v10 =	vmul.f32 v8, v8  }
.Ltmp0:
0x12e: {  	v47 =	vld.idx.msk [tilespmem:v47+s14+$0x0], $0xffff;
	v62 =	vmul.f32 v56, v56;
	v5 =	vadd.f32 v60, v5;
	v0 =	vadd.f32 v59, v0;
	(pc) =	sbr.rel @p0 .LBB2_3-.Ltmp0, $4  }
0x12f: {  	v49 =	vld.idx.msk [tilespmem:v49+s14+$0x0], $0xffff;
	v1 =	vadd.f32 v8, v1;
	v4 =	vadd.f32 v10, v63;
	v63 =	vmul.f32 v58, v58  }
0x130: {  	v44 =	vld.idx.msk [tilespmem:v44+s14+$0x0], $0xffff;
	v11 =	vmul.f32 v7, v7;
	v3 =	vadd.f32 v62, v5;
	v0 =	vadd.f32 v56, v0  }
0x131: {  	v45 =	vld.idx.msk [tilespmem:v45+s14+$0x0], $0xffff;
	v55 =	vmul.f32 v51, v51;
	v58 =	vadd.f32 v58, v1;
	v56 =	vadd.f32 v63, v4  }
0x132: {  	s30 =	sadd.s32 $0x10, s30;
	v42 =	vld.idx.msk [tilespmem:v42+s14+$0x0], $0xffff;
	v60 =	vmul.f32 v52, v52;
	v57 =	vadd.f32 v11, v3;
	v59 =	vadd.f32 v7, v0  }
0x133: {  	_ =	sdelay $0x2  }
0x134: {  	v1 =	vmul.f32 v53, v53;
	v4 =	vadd.f32 v52, v58  }
0x135: {  	v3 =	vld.idx.msk [tilespmem:v34+s14+$0x0], $0xffff;
	v6 =	vmul.f32 v47, v47;
	v0 =	vadd.f32 v60, v56;
	v2 =	vadd.f32 v55, v57  }
0x136: {  	v62 =	vld.idx.msk [tilespmem:v43+s14+$0x0], $0xffff;
	v34 =	vmul.f32 v37, v37;
	v5 =	vadd.f32 v51, v59;
	v4 =	vadd.f32 v53, v4  }
0x137: {  	v43 =	vld.idx.msk [tilespmem:v25+s14+$0x0], $0xffff;
	v59 =	vmul.f32 v49, v49;
	v0 =	vadd.f32 v1, v0;
	v2 =	vadd.f32 v54, v2  }
0x138: {  	v8 =	vld.idx.msk [tilespmem:v31+s14+$0x0], $0xffff;
	v9 =	vmul.f32 v44, v44;
	v5 =	vadd.f32 v50, v5;
	v4 =	vadd.f32 v49, v4  }
0x139: {  	v7 =	vld.idx.msk [tilespmem:v30+s14+$0x0], $0xffff;
	v60 =	vmul.f32 v45, v45;
	v0 =	vadd.f32 v59, v0;
	v2 =	vadd.f32 v6, v2  }
0x13a: {  	v10 =	vld.idx.msk [tilespmem:v28+s14+$0x0], $0xffff;
	v11 =	vmul.f32 v42, v42;
	v5 =	vadd.f32 v47, v5;
	v4 =	vadd.f32 v45, v4  }
0x13b: {  	v63 =	vmul.f32 v3, v3;
	v0 =	vadd.f32 v60, v0;
	v2 =	vadd.f32 v9, v2;
	v9 =	vld.idx.msk [tilespmem:v46+s14+$0x0], $0xffff  }
0x13c: {  	v6 =	vld.idx.msk [tilespmem:v48+s14+$0x0], $0xffff;
	v51 =	vadd.f32 $0.0e+00, v43;
	v52 =	vmul.f32 v62, v62;
	v5 =	vadd.f32 v44, v5  }
0x13d: {  	v44 =	vmul.f32 v8, v8;
	v3 =	vadd.f32 v3, v4;
	v0 =	vadd.f32 v63, v0  }
0x13e: {  	v28 =	vadd.f32 v62, v51;
	v2 =	vadd.f32 v11, v2;
	v11 =	vor.u32 $0x11, v25  }
0x13f: {  	v47 =	vld.idx.msk [tilespmem:v41+s14+$0x0], $0xffff;
	v45 =	vmul.f32 v10, v10;
	v3 =	vadd.f32 v8, v3;
	v0 =	vadd.f32 v44, v0  }
0x140: {  	v4 =	vadd.f32 v42, v5;
	v5 =	vmul.f32 v7, v7;
	v8 =	vld.idx.msk [tilespmem:v40+s14+$0x0], $0xffff;
	v48 =	vadd.f32 $0.0e+00, v9  }
0x141: {  	v50 =	vld.idx.msk [tilespmem:v39+s14+$0x0], $0xffff;
	v49 =	vmul.f32 v6, v6;
	v3 =	vadd.f32 v10, v3;
	v0 =	vadd.f32 v45, v0  }
0x142: {  	v46 =	vadd.f32 v34, v2;
	v10 =	vld.idx.msk [tilespmem:v38+s14+$0x0], $0xffff;
	v9 =	vmul.f32 v9, v9;
	v6 =	vadd.f32 v6, v48  }
0x143: {  	v3 =	vadd.f32 v7, v3;
	v0 =	vadd.f32 v5, v0;
	v5 =	vld.idx.msk [tilespmem:v11+s14+$0x0], $0xffff;
	v11 =	vmul.f32 v43, v43  }
0x144: {  	v2 =	vmul.f32 v47, v47;
	v7 =	vld.idx.msk [tilespmem:v36+s14+$0x0], $0xffff;
	v9 =	vadd.f32 v49, v9;
	v6 =	vadd.f32 v47, v6  }
0x145: {  	v53 =	vld.idx.msk [tilespmem:v35+s14+$0x0], $0xffff;
	v28 =	vadd.f32 v8, v28;
	v8 =	vmul.f32 v8, v8;
	v11 =	vadd.f32 v52, v11  }
0x146: {  	v54 =	vld.idx.msk [tilespmem:v33+s14+$0x0], $0xffff;
	v1 =	vmul.f32 v50, v50;
	v2 =	vadd.f32 v2, v9;
	v6 =	vadd.f32 v50, v6  }
0x147: {  	v9 =	vld.idx.msk [tilespmem:v32+s14+$0x0], $0xffff;
	v8 =	vadd.f32 v8, v11;
	v11 =	vadd.f32 v10, v28;
	v10 =	vmul.f32 v10, v10  }
0x148: {  	v55 =	vld.idx.msk [tilespmem:v29+s14+$0x0], $0xffff;
	v1 =	vadd.f32 v1, v2;
	v56 =	vadd.f32 v5, v6;
	v5 =	vmul.f32 v5, v5  }
0x149: {  	v6 =	vld.idx.msk [tilespmem:v27+s14+$0x0], $0xffff;
	v8 =	vadd.f32 v10, v8;
	v10 =	vadd.f32 v7, v11;
	v7 =	vmul.f32 v7, v7  }
0x14a: {  	v11 =	vld.idx.msk [tilespmem:v26+s14+$0x0], $0xffff;
	v1 =	vadd.f32 v5, v1;
	v2 =	vadd.f32 v53, v56;
	v5 =	vmul.f32 v53, v53  }
0x14b: {  	v24 =	vld.idx.msk [tilespmem:v24+s14+$0x0], $0xffff;
	v7 =	vadd.f32 v7, v8;
	v8 =	vadd.f32 v54, v10;
	v10 =	vmul.f32 v54, v54  }
0x14c: {  	v23 =	vld.idx.msk [tilespmem:v23+s14+$0x0], $0xffff;
	v1 =	vadd.f32 v5, v1;
	v2 =	vadd.f32 v9, v2;
	v5 =	vmul.f32 v9, v9  }
0x14d: {  	v9 =	vld.idx.msk [tilespmem:v22+s14+$0x0], $0xffff;
	v7 =	vadd.f32 v10, v7;
	v8 =	vadd.f32 v55, v8;
	v10 =	vmul.f32 v55, v55  }
0x14e: {  	v21 =	vld.idx.msk [tilespmem:v21+s14+$0x0], $0xffff;
	v1 =	vadd.f32 v5, v1;
	v2 =	vadd.f32 v6, v2;
	v5 =	vmul.f32 v6, v6  }
0x14f: {  	v6 =	vld.idx.msk [tilespmem:v20+s14+$0x0], $0xffff;
	v7 =	vadd.f32 v10, v7;
	v8 =	vadd.f32 v11, v8;
	v10 =	vmul.f32 v11, v11  }
0x150: {  	v11 =	vld.idx.msk [tilespmem:v19+s14+$0x0], $0xffff;
	v1 =	vadd.f32 v5, v1;
	v2 =	vadd.f32 v24, v2;
	v5 =	vmul.f32 v24, v24  }
0x151: {  	v7 =	vadd.f32 v10, v7;
	v8 =	vadd.f32 v23, v8;
	v10 =	vmul.f32 v23, v23  }
0x152: {  	v18 =	vld.idx.msk [tilespmem:v18+s14+$0x0], $0xffff;
	v1 =	vadd.f32 v5, v1;
	v2 =	vadd.f32 v9, v2;
	v5 =	vmul.f32 v9, v9  }
0x153: {  	v17 =	vld.idx.msk [tilespmem:v17+s14+$0x0], $0xffff;
	v7 =	vadd.f32 v10, v7;
	v8 =	vadd.f32 v21, v8;
	v10 =	vmul.f32 v21, v21  }
0x154: {  	v9 =	vld.idx.msk [tilespmem:v16+s14+$0x0], $0xffff;
	v1 =	vadd.f32 v5, v1;
	v2 =	vadd.f32 v6, v2;
	v5 =	vmul.f32 v6, v6  }
0x155: {  	v7 =	vadd.f32 v10, v7;
	v8 =	vadd.f32 v11, v8;
	v10 =	vmul.f32 v11, v11;
	v11 =	vld.idx.msk [tilespmem:v13+s14+$0x0], $0xffff  }
0x156: {  	v13 =	vld [tilespmem:$0x1FF60]  }
0x157: {  	v6 =	vld.idx.msk [tilespmem:v14+s14+$0x0], $0xffff;
	v1 =	vadd.f32 v5, v1;
	v2 =	vadd.f32 v18, v2;
	v5 =	vmul.f32 v18, v18  }
0x158: {  	v14 =	vld [tilespmem:$0x1FF40]  }
0x159: {  	v1 =	vadd.f32 v5, v1;
	v2 =	vadd.f32 v9, v2;
	v5 =	vmul.f32 v9, v9;
	v9 =	vld [tilespmem:$0x1FF50]  }
0x15a: {  	v15 =	vld.idx.msk [tilespmem:v15+s14+$0x0], $0xffff;
	_ =	sdelay $0x2  }
0x15b: {  	v12 =	vld.idx.msk [tilespmem:v12+s14+$0x0], $0xffff;
	v7 =	vadd.f32 v10, v7;
	v8 =	vadd.f32 v17, v8;
	v10 =	vmul.f32 v17, v17  }
0x15c: {  	v13 =	vld.idx.msk [tilespmem:v13+s14+$0x0], $0xffff  }
0x15d: {  	v7 =	vadd.f32 v10, v7;
	v8 =	vadd.f32 v15, v8;
	v10 =	vmul.f32 v15, v15  }
0x15e: {  	v1 =	vadd.f32 v5, v1;
	v2 =	vadd.f32 v6, v2;
	v5 =	vmul.f32 v6, v6;
	v14 =	vld.idx.msk [tilespmem:v14+s14+$0x0], $0xffff  }
0x15f: {  	v6 =	vadd.f32 v10, v7;
	v7 =	vadd.f32 v11, v8;
	v8 =	vmul.f32 v11, v11;
	v9 =	vld.idx.msk [tilespmem:v9+s14+$0x0], $0xffff  }
0x160: {  	v4 =	vadd.f32 v37, v4;
	v1 =	vadd.f32 v5, v1  }
0x161: {  	v5 =	vmul.f32 v12, v12;
	v6 =	vadd.f32 v8, v6;
	v8 =	vmul.f32 v13, v13  }
0x162: {  	v2 =	vadd.f32 v12, v2;
	v7 =	vadd.f32 v13, v7  }
0x163: {  	v1 =	vadd.f32 v5, v1;
	v6 =	vadd.f32 v8, v6;
	v8 =	vmul.f32 v14, v14  }
0x164: {  	v7 =	vadd.f32 v14, v7;
	v2 =	vadd.f32 v9, v2;
	v5 =	vmul.f32 v9, v9  }
0x165: {  	v3 =	vadd.f32 v4, v3;
	v4 =	vadd.f32 v8, v6  }
0x166: {  	v1 =	vadd.f32 v5, v1;
	v2 =	vadd.f32 v2, v7  }
0x167: {  	v0 =	vadd.f32 v46, v0  }
0x168: {  	v2 =	vadd.f32 v3, v2;
	v1 =	vadd.f32 v1, v4;
	_ =	sdelay $0x1  }
0x169: {  	v0 =	vadd.f32 v0, v1;
	v57 =	vmul.f32 $1.562500000e-02, v2;
	_ =	sdelay $0x1  }
0x16a: {  	v0 =	vmul.f32 $1.562500000e-02, v0;
	v2 =	vmul.f32 v57, v57;
	_ =	sdelay $0x1  }
0x16b: {  	v0 =	vsub.f32 v0, v2;
	_ =	sdelay $0x1  }
0x16c: {  	v0 =	vadd.f32 $9.999999970e-07, v0;
	_ =	sdelay $0x1  }
0x16d: {  	v58 =	vshra.s32 v0, $0x1;
	v0 =	vmul.f32 $5.000000000e-01, v0  }
0x16e: {  	v2 =	vsub.s32 $0x5F3759DF, v58  }
0x16f: {  	v59 =	vmul.f32 v2, v0;
	_ =	sdelay $0x1  }
0x170: {  	v3 =	vmul.f32 v2, v59;
	_ =	sdelay $0x1  }
0x171: {  	v3 =	vsub.f32 $1.500000000e+00, v3;
	_ =	sdelay $0x1  }
0x172: {  	v2 =	vmul.f32 v2, v3;
	_ =	sdelay $0x1  }
0x173: {  	v3 =	vmul.f32 v2, v0;
	_ =	sdelay $0x1  }
0x174: {  	v3 =	vmul.f32 v3, v2;
	_ =	sdelay $0x1  }
0x175: {  	v3 =	vsub.f32 $1.500000000e+00, v3;
	_ =	sdelay $0x1  }
0x176: {  	v2 =	vmul.f32 v3, v2;
	_ =	sdelay $0x1  }
0x177: {  	v0 =	vmul.f32 v2, v0;
	_ =	sdelay $0x1  }
0x178: {  	v0 =	vmul.f32 v0, v2;
	_ =	sdelay $0x1  }
0x179: {  	v0 =	vsub.f32 $1.500000000e+00, v0;
	_ =	sdelay $0x1  }
0x17a: {  	s28 =	sadd.s32 $0x10, s28;
	v16 =	vld [tilespmem:$0x1FFC0];
	v0 =	vmul.f32 v0, v2  }
0x17b: {  	v60 =	vmov s26;
	v18 =	vld [tilespmem:$0x1FFE0];
	[tilespmem:s28+$0x0] =	vst v57;
	s28 =	sadd.s32 $0x10, s29  }
0x17c: {  	s26 =	simm.s32 $0x220;
	v14 =	vld [tilespmem:$0x1FFA0];
	[tilespmem:s28+$0x0] =	vst v0  }
0x17d: {  	v0 =	vld [tilespmem:s26+$0xFFFFFFF0]  }
0x17e: {  	v62 =	vld [tilespmem:s26+$0x10]  }
0x17f: {  	v63 =	vld [tilespmem:s26+$0xFFFFFFE0]  }
0x180: {  	v4 =	vld.idx.msk [tilespmem:v60+s21+$0x0], $0xffff  }
0x181: {  	v5 =	vld [tilespmem:s26+$0x0]  }
0x182: {  	v1 =	vld.idx.msk [tilespmem:v60+s22+$0x0], $0xffff  }
0x183: {  	v6 =	vld [tilespmem:$0x1FF70]  }
0x184: {  	v8 =	vld [tilespmem:$0x1FF90]  }
0x185: {  	v7 =	vld [tilespmem:$0x1FF80];
	v3 =	vsub.f32 v63, v4;
	v2 =	vsub.f32 v62, v4  }
0x186: {  	v15 =	vld [tilespmem:$0x1FFB0];
	v0 =	vsub.f32 v0, v4;
	v4 =	vsub.f32 v5, v4  }
0x187: {  	v17 =	vld [tilespmem:$0x1FFD0];
	v3 =	vmul.f32 v3, v1;
	v2 =	vmul.f32 v2, v1  }
0x188: {  	v0 =	vmul.f32 v0, v1;
	v1 =	vmul.f32 v4, v1  }
0x189: {  	v3 =	vmul.f32 v3, v6;
	v2 =	vmul.f32 v2, v14  }
0x18a: {  	v0 =	vmul.f32 v0, v7;
	v1 =	vmul.f32 v1, v8  }
0x18b: {  	s29 =	simm.s32 $0x1;
	v10 =	vadd.f32 v3, v15;
	v13 =	vadd.f32 v2, v18  }
0x18c: {  	v61 =	vld [tilespmem:$0x1FFF0];
	v9 =	vmov s29;
	s29 =	simm.s32 $0x220;
	s28 =	simm.s32 $0x2;
	v12 =	vadd.f32 v0, v16;
	v11 =	vadd.f32 v1, v17  }
.LBB2_5:
0x18d: {  	p0 =	sne.s32 s28, $0x1FF  }
0x18e: {  	[tilespmem:s26+$0x10] =	vst v13;
	s29 =	sadd.s32 $0x40, s29;
	s30 =	smov.u32 s28;
	s28 =	sadd.s32 $0x1, s28  }
0x18f: {  	v0 =	vld [tilespmem:s29+$0xFFFFFFF0];
	[tilespmem:s26+$0xFFFFFFE0] =	vst v10  }
0x190: {  	v1 =	vld [tilespmem:s29+$0x10];
	[tilespmem:s26+$0xFFFFFFF0] =	vst v12  }
0x191: {  	v2 =	vld [tilespmem:s29+$0xFFFFFFE0];
	[tilespmem:s26+$0x0] =	vst v11;
	s26 =	smov.u32 s29  }
0x192: {  	v3 =	vld.idx.msk [tilespmem:v9+s21+$0x0], $0xffff  }
0x193: {  	v4 =	vld [tilespmem:s29+$0x0]  }
0x194: {  	v5 =	vld.idx.msk [tilespmem:v9+s22+$0x0], $0xffff;
	_ =	sdelay $0x3  }
0x195: {  	v2 =	vsub.f32 v2, v3;
	v1 =	vsub.f32 v1, v3  }
0x196: {  	v0 =	vsub.f32 v0, v3;
	v3 =	vsub.f32 v4, v3  }
0x197: {  	v2 =	vmul.f32 v2, v5;
	v1 =	vmul.f32 v1, v5  }
.Ltmp1:
0x198: {  	v0 =	vmul.f32 v0, v5;
	v3 =	vmul.f32 v3, v5;
	(pc) =	sbr.rel @p0 .LBB2_5-.Ltmp1, $4  }
0x199: {  	v2 =	vmul.f32 v2, v6;
	v1 =	vmul.f32 v1, v14  }
0x19a: {  	v0 =	vmul.f32 v0, v7;
	v3 =	vmul.f32 v3, v8  }
0x19b: {  	v10 =	vadd.f32 v2, v15;
	v13 =	vadd.f32 v1, v18  }
0x19c: {  	v9 =	vmov s30;
	v12 =	vadd.f32 v0, v16;
	v11 =	vadd.f32 v3, v17  }
0x19d: {  	[tilespmem:s26+$0x10] =	vst v13;
	s28 =	sadd.s32 $0x40, s29  }
0x19e: {  	v0 =	vld [tilespmem:s28+$0xFFFFFFF0];
	[tilespmem:s26+$0xFFFFFFE0] =	vst v10  }
0x19f: {  	v1 =	vld [tilespmem:s28+$0x10];
	[tilespmem:s26+$0xFFFFFFF0] =	vst v12  }
0x1a0: {  	v2 =	vld [tilespmem:s28+$0xFFFFFFE0];
	[tilespmem:s26+$0x0] =	vst v11  }
0x1a1: {  	v3 =	vld.idx.msk [tilespmem:v9+s21+$0x0], $0xffff;
	_ =	sdelay $0x1  }
0x1a2: {  	v4 =	vld.idx.msk [tilespmem:v9+s22+$0x0], $0xffff  }
0x1a3: {  	v5 =	vld [tilespmem:s28+$0x0];
	_ =	sdelay $0x1  }
0x1a4: {  	v1 =	vsub.f32 v1, v3  }
0x1a5: {  	v2 =	vsub.f32 v2, v3  }
0x1a6: {  	v0 =	vsub.f32 v0, v3;
	v1 =	vmul.f32 v1, v4  }
0x1a7: {  	v3 =	vsub.f32 v5, v3;
	v2 =	vmul.f32 v2, v4  }
0x1a8: {  	v0 =	vmul.f32 v0, v4;
	v1 =	vmul.f32 v1, v14  }
0x1a9: {  	v3 =	vmul.f32 v3, v4;
	v2 =	vmul.f32 v2, v6  }
0x1aa: {  	v0 =	vmul.f32 v0, v7;
	v1 =	vadd.f32 v1, v18  }
0x1ab: {  	v3 =	vmul.f32 v3, v8;
	v2 =	vadd.f32 v2, v15  }
0x1ac: {  	v0 =	vadd.f32 v0, v16;
	[tilespmem:s28+$0x10] =	vst v1  }
0x1ad: {  	s24 =	sadd.s32 $0x1, s24;
	v1 =	vadd.f32 v3, v17;
	[tilespmem:s28+$0xFFFFFFE0] =	vst v2  }
0x1ae: {  	s25 =	sshll.u32 s25, $0x3;
	p0 =	sne.s32 s24, $0x32;
	[tilespmem:s28+$0xFFFFFFF0] =	vst v0  }
.Ltmp2:
0x1af: {  	s25 =	sadd.s32 s3, s25;
	[tilespmem:s28+$0x0] =	vst v1;
	(pc) =	sbr.rel @p0 .LBB2_2-.Ltmp2, $4  }
0x1b0: {  	[hbm4b:s25+s5] =	stream.linear.scatter [tilespmem:s14], [sflag:$0x2], $0x8000, $0x38;
	[tilespmem:$0x8680] =	vst v63  }
0x1b1: {  	_ =	swait.ge [sflag:s11], $0x8000  }
0x1b2: {  	[sflag:s11] =	ssyncset.done $0x0  }
0x1b3: {  	v0 =	vmov v61;
	[sflag:s11] =	ssyncadd.s32 $0xFFFF8000  }
0x1b4: {  	s23 =	sadd.s32 $0x1, s23  }
0x1b5: {  	p0 =	sne.s32 s23, s9  }
.Ltmp3:
0x1b6: {  	_ = 	snop;
	(pc) =	sbr.rel @p0 .LBB2_1-.Ltmp3, $1  }
0x1b7: {  	_ =	sdelay $0x3  }
0x1b8: {  	_ =	sfence.sel $0x180000  }
0x1b9: {  	[bflag:$0x0] =	sbarrier.arrive $0xFFFF  }
0x1ba: {  	p0 =	sne.s32 s4, $0x0;
	_ =	strace $0x90000047  }
0x1bb: {  	s0 =	sadd.s32 @!p0 $0x100000, s0;
	[bflag:$0x2] =	sbarrier.arrive $0xFFFF  }
0x1bc: {  	[sflag:s0] =	ssyncadd.tile.s32 @!p0 $0x1;
	_ =	shalt  }
.Lfunc_end2:
_tile_overlayer_lowered:
.L_overlay_start_2:
0x1bd: {  	(tag) =	ssettag $0x2  }
0x1be: {  	s0 =	rddreg [dreg:$0x0];
	s2 =	stileid.u32  }
0x1bf: {  	s1 =	rddreg [dreg:$0x1];
	p0 =	sne.s32 s2, $0x0  }
0x1c0: {  	s3 =	rddreg [dreg:$0x2];
	[bflag:$0x3] =	sbarrier.arrive $0xFFFF;
	s2 =	simm.s32 @!p0 $0x1C02  }
0x1c1: {  	[timem:s3], [sflag:s2] =	dma.local @!p0 [hbm:s0], s1  }
0x1c2: {  	s0 =	simm.s32 @!p0 $0x2  }
0x1c3: {  	_ =	swait.ge @!p0 [sflag:s0], s1  }
0x1c4: {  	s1 =	ssub.s32 @!p0 $0x0, s1;
	[sflag:s0] =	ssyncset.done @!p0 $0x0  }
0x1c5: {  	[sflag:s0] =	ssyncadd.s32 @!p0 s1  }
0x1c6: {  	[bflag:$0x3] =	sbarrier.arrive $0xFFFF  }
0x1c7: {  	_ =	shalt  }

// kernel: sparse-core-data-format-call.cloned.1.call-start
scs
called_computation_lowered:
.L_overlay_start_0:
0x0: {  	s2 =	sld [smem:$0x3FD9]  }
0x1: {  	s3 =	sld [smem:$0x3FFE];
	_ =	sdelay $0x1  }
0x2: {  	s1 =	srdreg.scid  }
0x3: {  	s0 =	sand.u32 $0x1, s1  }
0x4: {  	s18 =	sshll.u32 s0, $0xA;
	s2 =	sadd.s32 s3, s2  }
0x5: {  	s2 =	sadd.s32 s2, s18  }
0x6: {  	[smem:$0x3FC4] =	sst s2  }
0x7: {  	_ = 	snop  }
0x8: {  	s2 =	sld [smem:$0x3FD0];
	(tm) =	ssettm $0x1  }
0x9: {  	s19 =	sld [smem:$0x3FFB];
	_ =	sdelay $0x3  }
0xa: {  	_ =	strace s19  }
0xb: {  	s3 =	sld [smem:$0x3FFC];
	_ =	sdelay $0x3  }
0xc: {  	_ =	strace s3  }
0xd: {  	s3 =	sld [smem:$0x3FFD];
	_ =	sdelay $0x3  }
0xe: {  	_ =	strace s3  }
0xf: {  	_ =	strace $0x8FFFFFFF  }
0x10: {  	s20 =	sld [smem:$0x3FDB];
	_ =	sdelay $0x1  }
0x11: {  	s4 =	simm.s32 $_scs_section_size  }
0x12: {  	s5 =	simm.s32 $_size__tile_overlayer_lowered;
	s6 =	simm.s32 $_tile_overlayer_lowered  }
0x13: {  	s23 =	simm.s32 $0x1BFF;
	s22 =	sshll.u32 s6, $0x1;
	s3 =	sadd.s32 s4, s20  }
0x14: {  	s7 =	simm.s32 $0x0;
	s21 =	sshll.u32 s5, $0x1;
	s5 =	sadd.s32 s22, s3  }
0x15: {  	[timem:s7], [sflag:s23] =	dma.local [hbm:s5], s21  }
0x16: {  	_ =	swait.ge [sflag:s23], s21  }
0x17: {  	s4 =	ssub.s32 $0x0, s21;
	[sflag:s23] =	ssyncset.done $0x0  }
0x18: {  	[sflag:s23] =	ssyncadd.s32 s4;
	_ =	sdelay $0x1  }
0x19: {  	s24 =	simm.s32 $0x1B8B  }
0x1a: {  	_ =	swait.ge [sflag:s24], $0x1  }
0x1b: {  	[sflag:s24] =	ssyncset.done $0x0  }
0x1c: {  	s26 =	simm.s32 $0x1B8E;
	s25 =	sld [smem:$0x3FFE];
	[sflag:s24] =	ssyncadd.s32 $0xFFFFFFFF  }
0x1d: {  	s27 =	simm.s32 $execute0_lowered;
	[smem:$0x3FD2] =	sst s26  }
0x1e: {  	s5 =	sshll.u32 s27, $0x1;
	_ =	strace $0x80000049;
	[dreg:$0x1] =	wrdreg $0xFFFFFFFF  }
0x1f: {  	s28 =	simm.s32 $_size_execute0_lowered;
	s3 =	sadd.s32 s3, s5;
	[dreg:$0x0] =	wrdreg $0x0  }
0x20: {  	s5 =	sshll.u32 s28, $0x1;
	[dreg:$0x2] =	wrdreg s3  }
0x21: {  	[dreg:$0x3] =	wrdreg s5  }
0x22: {  	[dreg:$0x4] =	wrdreg $0xC0  }
0x23: {  	_ =	task [dreg:s7], $0x5FFFF  }
0x24: {  	[dreg:$0x1] =	wrdreg $0xFFFFFFFF  }
0x25: {  	[dreg:$0x0] =	wrdreg $0x60  }
0x26: {  	[dreg:$0x2] =	wrdreg s25  }
0x27: {  	[dreg:$0x3] =	wrdreg s2  }
0x28: {  	[dreg:$0x4] =	wrdreg $0x9  }
0x29: {  	_ =	task.clear_ibuf [dreg:s7], $0x5FFFF;
	_ =	strace $0x90000049  }
0x2a: {  	s29 =	simm.s32 $0x9;
	_ =	strace $0x8000004B  }
0x2b: {  	_ =	swait.ge [sflag:s29], $0x1  }
0x2c: {  	[sflag:s29] =	ssyncadd.s32 $0xFFFFFFFF  }
0x2d: {  	_ =	strace $0x9000004B  }
0x2e: {  	_ =	sfence  }
0x2f: {  	s30 =	sld [smem:$0x0];
	_ =	sdelay $0x2  }
0x30: {  	s31 =	sshll.u32 s1, $0xD;
	s1 =	sshrl.u32 s1, $0x2  }
0x31: {  	s3 =	sand.u32 $0x4000, s31;
	s1 =	sadd.s32 s1, s30  }
0x32: {  	s0 =	sor.u32 s3, s0;
	s1 =	sshll.u32 s1, $0x11  }
0x33: {  	s0 =	sor.u32 s1, s0  }
0x34: {  	s0 =	sadd.s32 $0x8F2B, s0  }
0x35: {  	[sflag:s0] =	ssyncadd.remote.s32 $0x1  }
0x36: {  	_ =	sfence.sel $0xFFFF  }
0x37: {  	[dreg:$0x0] =	wrdreg $0xFFFFFFFF;
	(pc) =	sbr.abs _section_cstart, $3  }
0x38: {  	[dreg:$0x1] =	wrdreg $0xFFFFFFFF  }
0x39: {  	_ =	task.clear_ibuf [dreg:s7], $0x2FFFF;
	_ =	strace $0x9FFFFFFF  }
0x3a: {  	(tm) =	ssettm $0x7FFFFFFF  }
0x3b: {  	_ =	shalt  }
tec
execute0_lowered:
.L_overlay_start_1:
0x0: {  	(tag) =	ssettag $0x1  }
0x1: {  	s0 =	srdreg.scid  }
0x2: {  	s1 =	sshll.u32 s0, $0x4  }
0x3: {  	s0 =	stileid.u32;
	s1 =	sand.u32 $0x10, s1  }
0x4: {  	s1 =	sor.u32 s0, s1  }
0x5: {  	s6 =	rddreg [dreg:$0x0];
	s4 =	simm.s32 $0x1;
	s2 =	sshll.u32 s1, $0x7  }
0x6: {  	s7 =	simm.s32 $0x2;
	s12 =	simm.s32 $0x0;
	s1 =	ssub.s32 $0x1000, s2  }
0x7: {  	s8 =	simm.s32 $0x8000;
	s13 =	simm.s32 $0x0;
	s3 =	sand.u32 $0xF80, s1  }
0x8: {  	s9 =	simm.s32 $0x0;
	s5 =	sshrl.u32 s1, $0xC;
	p0 =	sne.s32 s3, $0x0  }
.Ltmp0:
0x9: {  	s1 =	rddreg [dreg:$0x2];
	s4 =	simm.s32 @!p0 $0x0;
	(pc) =	sbr.rel .LBB1_1-.Ltmp0, $4  }
0xa: {  	s11 =	simm.s32 $0x0;
	s3 =	rddreg [dreg:$0x1];
	s5 =	sadd.s32 s4, s5  }
0xb: {  	_ =	strace $0x8000004A;
	s4 =	simm.s32 $0x1;
	s5 =	smul.u32 $0xC8, s5  }
0xc: {  	s6 =	sadd.s32 $0xA00, s6;
	s10 =	smov.u32 s2;
	[sflag:s4] =	ssyncpa.u1 $0x0  }
0xd: {  	p0 =	por $0x0, $0x0;
	[sflag:s7] =	ssyncpa.u1 $0x0;
	s7 =	sor.u32 $0x1, s5  }
.LBB1_4:
0xe: {  	s16 =	sshll.u32 s13, $0x3;
	s17 =	sand.u32 $0x78, s13  }
0xf: {  	s30 =	sand.u32 $0x7E00, s13;
	s12 =	sshll.u32 s12, $0xF;
	s16 =	sand.u32 $0xC00, s16  }
0x10: {  	[tilespmem:s15+$0x810 ss:$0x81] =	vst.msk $0xffff, v2;
	s31 =	sand.u32 $0x7, s13;
	s16 =	sor.u32 s17, s16;
	s17 =	sadd.s32 s3, s30  }
0x11: {  	[tilespmem:s15+$0x1020 ss:$0x81] =	vst.msk $0xffff, v0;
	s13 =	sshll.u32 s31, $0x12;
	s12 =	sadd.s32 s12, s17;
	s16 =	sshrl.u32 s16, $0x3  }
0x12: {  	[tilespmem:s15+$0x0 ss:$0x81] =	vst.msk $0xffff, v1;
	s13 =	sor.u32 $0x400, s13;
	s12 =	sadd.s32 s16, s12  }
0x13: {  	[hbm4b:s12+s13] =	stream.strided.scatter [tilespmem:s14], [sflag:$0x2], $0x2000, s8, s13, $0x20;
	[tilespmem:$0x8080] =	vst v63  }
.LBB1_5:
0x14: {  	s14 =	sadd.s32 $0x1, s9  }
0x15: {  	s12 =	sadd.s32 $0x1000, s10;
	s16 =	smov.u32 s10;
	p2 =	sgt.s32 s14, $0xC7  }
0x16: {  	s16 =	smov.u32 @p2 s12  }
0x17: {  	s14 =	simm.s32 @p2 $0x0;
	p2 =	sgt.s32 s16, $0xFFF  }
0x18: {  	s16 =	smov.u32 @p2 s2;
	p2 =	sne.s32 s11, s7  }
.Ltmp1:
0x19: {  	p1 =	slt.u32 s11, $0x2;
	(pc) =	sbr.rel @!p2 .LBB1_6-.Ltmp1, $4  }
0x1a: {  	s15 =	simm.s32 @!p1 $0x2  }
0x1b: {  	s13 =	smov.u32 s10;
	p0 =	por !p0, !p0;
	_ =	swait.ge @!p1 [sflag:s15], $0x2000  }
0x1c: {  	s12 =	smov.u32 s9;
	[sflag:s15] =	ssyncset.done @!p1 $0x0;
	s9 =	smov.u32 s14  }
0x1d: {  	s11 =	sadd.s32 $0x1, s11;
	[sflag:s15] =	ssyncadd.s32 @!p1 $0xFFFFE000;
	s10 =	smov.u32 s16  }
.LBB1_1:
0x1e: {  	p1 =	sge.u32 s11, s5  }
0x1f: {  	s14 =	sand.u32 @!p1 $0x1FFFFFF, s9  }
0x20: {  	s15 =	smulhi.u32 @!p1 $0x147AE15, s14;
	_ =	sdelay $0x1  }
0x21: {  	s15 =	smul.u32 @!p1 $0xC8, s15  }
0x22: {  	s16 =	sxor.u32 @!p1 $0xFFFFFFFF, s11;
	s17 =	smul.u32 @!p1 $0xC80, s10  }
0x23: {  	s31 =	sadd.s32 $0xFFFFFFFF, s11;
	s16 =	sshll.u32 @!p1 s16, $0xD;
	s14 =	ssub.s32 @!p1 s14, s15  }
0x24: {  	s15 =	sand.u32 @!p1 $0x2000, s16;
	s16 =	sadd.s32 @!p1 s6, s17;
	s14 =	sshll.u32 @!p1 s14, $0x4  }
0x25: {  	s17 =	simm.s32 @!p1 $0x6400;
	s14 =	sadd.s32 @!p1 s14, s16;
	s16 =	simm.s32 @!p1 $0x40  }
0x26: {  	[tilespmem:s15], [sflag:$0x1] =	stream.strided.gather @!p1 [hbm4b:s14+s16], $0x2000, s17, s16, $0x38;
	[tilespmem:$0x8080] =	vst v63  }
0x27: {  	p1 =	sge.u32 s31, s5  }
.Ltmp2:
0x28: {  	_ = 	snop;
	(pc) =	sbr.rel @p1 .LBB1_5-.Ltmp2, $1  }
0x29: {  	_ =	sdelay $0x3  }
0x2a: {  	s14 =	simm.s32 $0x1  }
0x2b: {  	_ =	swait.ge [sflag:s4], $0x2000;
	s14 =	simm.s32 @!p0 $0x0  }
0x2c: {  	[sflag:s4] =	ssyncset.done $0x0;
	s15 =	sshll.u32 s14, $0xD  }
0x2d: {  	[sflag:s4] =	ssyncadd.s32 $0xFFFFE000;
	s18 =	sor.u32 $0x20, s15  }
0x2e: {  	s14 =	smul.u32 $0x8100, s14;
	v3 =	vld [tilespmem:s18+$0x10]  }
0x2f: {  	s30 =	sand.u32 $0x1, s11;
	v2 =	vld [tilespmem:s18+$0xFFFFFFF0]  }
0x30: {  	s15 =	smul.u32 $0x8100, s30;
	s14 =	sshrl.u32 s14, $0x2;
	v0 =	vld [tilespmem:s18+$0x0]  }
0x31: {  	v1 =	vld [tilespmem:s18+$0xFFFFFFE0];
	s16 =	sor.u32 $0x4000, s14  }
0x32: {  	s31 =	sshrl.u32 s15, $0x2;
	s15 =	sadd.s32 $0x0, s16  }
0x33: {  	s17 =	simm.s32 $0x4;
	s18 =	sadd.s32 $0x40, s18;
	s14 =	sor.u32 $0x4000, s31;
	[tilespmem:s15+$0x1830 ss:$0x81] =	vst.msk $0xffff, v3  }
.LBB1_3:
0x34: {  	v3 =	vld [tilespmem:s18+$0x10];
	p1 =	sne.s32 s17, $0x1FC;
	[tilespmem:s15+$0x810 ss:$0x81] =	vst.msk $0xffff, v2;
	s19 =	smov.u32 s17;
	s17 =	sadd.s32 $0x4, s17  }
.Ltmp3:
0x35: {  	v2 =	vld [tilespmem:s18+$0xFFFFFFF0];
	[tilespmem:s15+$0x1020 ss:$0x81] =	vst.msk $0xffff, v0;
	(pc) =	sbr.rel @p1 .LBB1_3-.Ltmp3, $4  }
0x36: {  	v0 =	vld [tilespmem:s18+$0x0];
	[tilespmem:s15+$0x0 ss:$0x81] =	vst.msk $0xffff, v1  }
0x37: {  	s15 =	sshra.s32 s19, $0x2;
	v1 =	vld [tilespmem:s18+$0xFFFFFFE0]  }
0x38: {  	s15 =	sadd.s32 s15, s16  }
0x39: {  	s18 =	sadd.s32 $0x40, s18;
	[tilespmem:s15+$0x1830 ss:$0x81] =	vst.msk $0xffff, v3  }
.Ltmp4:
0x3a: {  	_ = 	snop;
	(pc) =	sbr.rel .LBB1_4-.Ltmp4, $1  }
0x3b: {  	_ =	sdelay $0x3  }
.LBB1_6:
0x3c: {  	_ =	sfence.sel $0x180000  }
0x3d: {  	s2 =	simm.s32 $0x1;
	[bflag:$0x0] =	sbarrier.arrive $0xFFFF  }
0x3e: {  	s31 =	simm.s32 $0x2;
	[sflag:s2] =	ssyncpa.u1 $0x1  }
0x3f: {  	[sflag:s31] =	ssyncpa.u1 $0x1  }
0x40: {  	p0 =	sne.s32 s0, $0x0;
	_ =	strace $0x9000004A  }
0x41: {  	s0 =	sadd.s32 @!p0 $0x100000, s1;
	[bflag:$0x2] =	sbarrier.arrive $0xFFFF  }
0x42: {  	[sflag:s0] =	ssyncadd.tile.s32 @!p0 $0x1;
	_ =	shalt  }
.Lfunc_end1:
_tile_overlayer_lowered:
.L_overlay_start_2:
0x43: {  	(tag) =	ssettag $0x2  }
0x44: {  	s0 =	rddreg [dreg:$0x0];
	s2 =	stileid.u32  }
0x45: {  	s1 =	rddreg [dreg:$0x1];
	p0 =	sne.s32 s2, $0x0  }
0x46: {  	s3 =	rddreg [dreg:$0x2];
	[bflag:$0x3] =	sbarrier.arrive $0xFFFF;
	s2 =	simm.s32 @!p0 $0x1C01  }
0x47: {  	[timem:s3], [sflag:s2] =	dma.local @!p0 [hbm:s0], s1  }
0x48: {  	s0 =	simm.s32 @!p0 $0x1  }
0x49: {  	_ =	swait.ge @!p0 [sflag:s0], s1  }
0x4a: {  	s1 =	ssub.s32 @!p0 $0x0, s1;
	[sflag:s0] =	ssyncset.done @!p0 $0x0  }
0x4b: {  	[sflag:s0] =	ssyncadd.s32 @!p0 s1  }
0x4c: {  	[bflag:$0x3] =	sbarrier.arrive $0xFFFF  }
0x4d: {  	_ =	shalt  }

</sc_bundles>
